<compile_context>
chip_gen: v7x
topology: tpu7x:2x2x1
jax: 0.10.2.dev20260603
libtpu: 0.0.44.dev20260713+nightly
codegen_flags: <defaults>
</compile_context>

<pallas_src>
import functools

import jax
import jax.numpy as jnp
from jax import lax
from jax.experimental import pallas as pl
from jax.experimental.pallas import tpu as pltpu
from jax.experimental.pallas import tpu_sc as plsc

N = 10000
D = 128
E = 320000
EPS = 1e-5

NW = 32
EPW = E // NW
B = 128
K = -(-EPW // B)
PAD = K * B - EPW
NP = 10112
RPT = NP // 16

RB = 1000
NBLK = N // RB


_sc_mesh = plsc.VectorSubcoreMesh(core_axis_name="c", subcore_axis_name="s")


@functools.partial(
    pl.kernel,
    out_type=jax.ShapeDtypeStruct((2, NP, D), jnp.float32),
    mesh=_sc_mesh,
    scratch_types=[
        pltpu.VMEM((K, 2, B), jnp.int32),
        pltpu.VMEM((B, D), jnp.float32),
        pltpu.VMEM_SHARED((NP, D), jnp.float32),
    ],
)
def _segsum_sc(support_hbm, idx_hbm, zeros_hbm, out_hbm, idx_v, rows_v, acc):
    c = lax.axis_index("c")
    s = lax.axis_index("s")
    w = c * 16 + s
    with jax.named_scope("sc_zero"):
        pltpu.sync_copy(zeros_hbm, acc.at[pl.ds(s * RPT, RPT)])
    with jax.named_scope("sc_idx"):
        pltpu.sync_copy(idx_hbm.at[w], idx_v)
    plsc.subcore_barrier()

    with jax.named_scope("sc_edges"):
        def body(j, carry):
            pltpu.sync_copy(support_hbm.at[idx_v.at[j, 0]], rows_v)
            pltpu.sync_copy(rows_v, acc.at[idx_v.at[j, 1]], add=True)
            return carry

        lax.fori_loop(0, K, body, 0)
    plsc.subcore_barrier()
    with jax.named_scope("sc_out"):
        pltpu.sync_copy(acc.at[pl.ds(s * RPT, RPT)],
                        out_hbm.at[c, pl.ds(s * RPT, RPT)])



def _mm2_body(x_ref, w_ref, ws_ref, b_ref, sup_ref, s_ref):
    x = x_ref[...]
    sup_ref[...] = jnp.dot(x, w_ref[...], preferred_element_type=jnp.float32)
    s_ref[...] = (jnp.dot(x, ws_ref[...], preferred_element_type=jnp.float32)
                  + b_ref[...])


_mm2 = pl.pallas_call(
    _mm2_body,
    grid=(NBLK,),
    in_specs=[
        pl.BlockSpec((RB, D), lambda i: (i, 0)),
        pl.BlockSpec((D, D), lambda i: (0, 0)),
        pl.BlockSpec((D, D), lambda i: (0, 0)),
        pl.BlockSpec((1, D), lambda i: (0, 0)),
    ],
    out_specs=[
        pl.BlockSpec((RB, D), lambda i: (i, 0)),
        pl.BlockSpec((RB, D), lambda i: (i, 0)),
    ],
    out_shape=[
        jax.ShapeDtypeStruct((N, D), jnp.float32),
        jax.ShapeDtypeStruct((N, D), jnp.float32),
    ],
)


def _stats_body(agg_ref, s_ref, t_ref, stats_ref):
    i = pl.program_id(0)
    t = agg_ref[0] + agg_ref[1] + s_ref[...]
    t_ref[...] = t
    su = jnp.sum(t, axis=0, keepdims=True)
    sq = jnp.sum(t * t, axis=0, keepdims=True)
    blk = jnp.concatenate([su, sq, jnp.zeros((6, D), jnp.float32)], axis=0)

    @pl.when(i == 0)
    def _():
        stats_ref[...] = jnp.zeros_like(stats_ref)

    stats_ref[...] += blk


_stats = pl.pallas_call(
    _stats_body,
    grid=(NBLK,),
    in_specs=[
        pl.BlockSpec((2, RB, D), lambda i: (0, i, 0)),
        pl.BlockSpec((RB, D), lambda i: (i, 0)),
    ],
    out_specs=[
        pl.BlockSpec((RB, D), lambda i: (i, 0)),
        pl.BlockSpec((8, D), lambda i: (0, 0)),
    ],
    out_shape=[
        jax.ShapeDtypeStruct((N, D), jnp.float32),
        jax.ShapeDtypeStruct((8, D), jnp.float32),
    ],
)


def _make_norm(has_tot, has_next):
    def body(*refs):
        refs = list(refs)
        t_ref = refs.pop(0)
        stats_ref = refs.pop(0)
        g_ref = refs.pop(0)
        be_ref = refs.pop(0)
        tot_in_ref = refs.pop(0) if has_tot else None
        if has_next:
            wn_ref = refs.pop(0)
            wsn_ref = refs.pop(0)
            bn_ref = refs.pop(0)
        tot_ref = refs.pop(0)
        if has_next:
            sup_ref = refs.pop(0)
            s_out_ref = refs.pop(0)
        stats = stats_ref[...]
        mu = stats[0:1] * (1.0 / N)
        var = stats[1:2] * (1.0 / N) - mu * mu
        inv = lax.rsqrt(var + EPS)
        h = g_ref[...] * (t_ref[...] - mu) * inv + be_ref[...]
        h = jnp.maximum(h, 0.0)
        tot_ref[...] = h + tot_in_ref[...] if has_tot else h
        if has_next:
            sup_ref[...] = jnp.dot(h, wn_ref[...],
                                   preferred_element_type=jnp.float32)
            s_out_ref[...] = (jnp.dot(h, wsn_ref[...],
                                      preferred_element_type=jnp.float32)
                              + bn_ref[...])

    row = pl.BlockSpec((RB, D), lambda i: (i, 0))
    vec = pl.BlockSpec((1, D), lambda i: (0, 0))
    mat = pl.BlockSpec((D, D), lambda i: (0, 0))
    in_specs = [row, pl.BlockSpec((8, D), lambda i: (0, 0)), vec, vec]
    if has_tot:
        in_specs.append(row)
    if has_next:
        in_specs += [mat, mat, vec]
    out_specs = [row]
    out_shape = [jax.ShapeDtypeStruct((N, D), jnp.float32)]
    if has_next:
        out_specs += [row, row]
        out_shape += [jax.ShapeDtypeStruct((N, D), jnp.float32),
                      jax.ShapeDtypeStruct((N, D), jnp.float32)]
    return pl.pallas_call(body, grid=(NBLK,), in_specs=in_specs,
                          out_specs=out_specs, out_shape=out_shape)


_norm_first = _make_norm(has_tot=False, has_next=True)
_norm_mid = _make_norm(has_tot=True, has_next=True)
_norm_last = _make_norm(has_tot=True, has_next=False)



def kernel(x, edge_index, batch, in_W, in_Ws, in_b, in_g, in_be,
           mid_W0, mid_Ws0, mid_b0, mid_g0, mid_be0,
           mid_W1, mid_Ws1, mid_b1, mid_g1, mid_be1):
    del batch
    src = edge_index[0].reshape(NW, EPW)
    dst = edge_index[1].reshape(NW, EPW)
    src3 = jnp.pad(src, ((0, 0), (0, PAD))).reshape(NW, K, B)
    dst3 = jnp.pad(dst, ((0, 0), (0, PAD)), constant_values=N).reshape(NW, K, B)
    idx5 = jnp.stack([src3, dst3], axis=2)
    zeros = jnp.zeros((RPT, D), jnp.float32)

    def layer(sup, s, g, be, tot, nxt):
        agg2 = _segsum_sc(sup, idx5, zeros)
        t, stats = _stats(agg2, s)
        g = g.reshape(1, D)
        be = be.reshape(1, D)
        if nxt is None:
            return _norm_last(t, stats, g, be, tot)[0]
        wn, wsn, bn = nxt
        bn = bn.reshape(1, D)
        if tot is None:
            return _norm_first(t, stats, g, be, wn, wsn, bn)
        return _norm_mid(t, stats, g, be, tot, wn, wsn, bn)

    sup, s = _mm2(x, in_W, in_Ws, in_b.reshape(1, D))
    tot, sup, s = layer(sup, s, in_g, in_be, None, (mid_W0, mid_Ws0, mid_b0))
    tot, sup, s = layer(sup, s, mid_g0, mid_be0, tot, (mid_W1, mid_Ws1, mid_b1))
    return layer(sup, s, mid_g1, mid_be1, tot, None)

# --- scband reference (transcript-rebuilt; emitter-appended) ---
"""Pipeline reference for scband-gcn-enc-19963007992111 (READ-ONLY COPY).

The authoritative reference and input builder live on the scoring server;
editing this copy changes nothing except your own understanding.
"""

import jax, jax.numpy as jnp
import numpy as np

N = 10000
E = 320000
D = 128


def setup_inputs(seed: int = 0) -> dict:
    key = jax.random.key(seed)
    ks = jax.random.split(key, 24)
    inp = {}
    inp['x'] = jax.random.normal(ks[0], (N, D), dtype=jnp.float32)
    inp['edge_index'] = jax.random.randint(ks[1], (2, E), 0, N, dtype=jnp.int32)
    inp['batch'] = jnp.zeros((N,), dtype=jnp.int32)
    s = 1.0 / np.sqrt(D)
    # input GraphConv params (neighbor weight, self-loop weight, bias)
    inp['in_W'] = jax.random.normal(ks[2], (D, D), dtype=jnp.float32) * s
    inp['in_Ws'] = jax.random.normal(ks[3], (D, D), dtype=jnp.float32) * s
    inp['in_b'] = jnp.zeros((D,), dtype=jnp.float32)
    inp['in_g'] = jnp.ones((D,), dtype=jnp.float32)
    inp['in_be'] = jnp.zeros((D,), dtype=jnp.float32)
    # two mid GraphConv layers + BNs
    inp['mid_W0'] = jax.random.normal(ks[4], (D, D), dtype=jnp.float32) * s
    inp['mid_Ws0'] = jax.random.normal(ks[5], (D, D), dtype=jnp.float32) * s
    inp['mid_b0'] = jnp.zeros((D,), dtype=jnp.float32)
    inp['mid_g0'] = jnp.ones((D,), dtype=jnp.float32)
    inp['mid_be0'] = jnp.zeros((D,), dtype=jnp.float32)
    inp['mid_W1'] = jax.random.normal(ks[6], (D, D), dtype=jnp.float32) * s
    inp['mid_Ws1'] = jax.random.normal(ks[7], (D, D), dtype=jnp.float32) * s
    inp['mid_b1'] = jnp.zeros((D,), dtype=jnp.float32)
    inp['mid_g1'] = jnp.ones((D,), dtype=jnp.float32)
    inp['mid_be1'] = jnp.zeros((D,), dtype=jnp.float32)
    return inp


def _graph_conv(x, edge_index, W, Ws, b):
    src = edge_index[0]
    dst = edge_index[1]
    support = x @ W
    agg = jax.ops.segment_sum(support[src], dst, num_segments=N)
    return agg + x @ Ws + b


def _batch_norm(x, g, be, eps=1e-5):
    mu = jnp.mean(x, axis=0)
    var = jnp.var(x, axis=0)
    return g * (x - mu) / jnp.sqrt(var + eps) + be


def reference(x, edge_index, batch, in_W, in_Ws, in_b, in_g, in_be,
              mid_W0, mid_Ws0, mid_b0, mid_g0, mid_be0,
              mid_W1, mid_Ws1, mid_b1, mid_g1, mid_be1):
    h = _graph_conv(x, edge_index, in_W, in_Ws, in_b)
    h = jax.nn.relu(_batch_norm(h, in_g, in_be))
    # dropout is identity in eval mode
    tot = h
    for (W, Ws, b, g, be) in ((mid_W0, mid_Ws0, mid_b0, mid_g0, mid_be0),
                              (mid_W1, mid_Ws1, mid_b1, mid_g1, mid_be1)):
        h = jax.nn.relu(_batch_norm(_graph_conv(h, edge_index, W, Ws, b), g, be))
        tot = tot + h
    return tot

if __name__ == "__main__":
    import jax
    _d = setup_inputs()
    print(jax.jit(kernel)(*tuple(_d.values())))

</pallas_src>

<mosaic_0001>
#map = affine_map<(d0, d1) -> (0, 0)>
#map1 = affine_map<(d0, d1) -> (0, 0, 0, 0)>
#map2 = affine_map<(d0, d1) -> (0, 0, 0)>
module attributes {stable_mosaic.version = 14 : i64} {
  func.func @_segsum_sc(%arg0: i32, %arg1: i32, %arg2: memref<10000x128xf32, #tpu.memory_space<hbm>>, %arg3: memref<32x79x2x128xi32, #tpu.memory_space<hbm>>, %arg4: memref<632x128xf32, #tpu.memory_space<hbm>>, %arg5: memref<2x10112x128xf32, #tpu.memory_space<hbm>>, %arg6: memref<79x2x128xi32, #tpu.memory_space<vmem>>, %arg7: memref<128x128xf32, #tpu.memory_space<vmem>>, %arg8: memref<10112x128xf32, #tpu.memory_space<vmem_shared>>) attributes {dimension_semantics = [#tpu.dimension_semantics<core_parallel>, #tpu.dimension_semantics<subcore_parallel>], iteration_bounds = array<i64: 2, 16>, scalar_prefetch = 0 : i64, scratch_operands = 3 : i64, tpu.core_type = #tpu.core_type<sc_vector_subcore>, window_params = [{transform_indices = #map}, {transform_indices = #map1}, {transform_indices = #map}, {transform_indices = #map2}]} {
    %mul3A = arith.constant 16 : i32
    %mul3A_0 = arith.muli %arg0, %mul3A : i32
    %add3A = arith.addi %mul3A_0, %arg1 : i32
    "tpu.trace_start"() <{level = 10 : i32, message = "sc_zero"}> : () -> ()
    %mul3A_1 = arith.constant 632 : i32
    %mul3A_2 = arith.muli %arg1, %mul3A_1 : i32
    "tpu.region"() ({
      %run_scoped3A = tpu.sem_alloc : memref<!tpu.dma_semaphore, #tpu.memory_space<semaphore_mem>>
      %dma_start3A = arith.constant 0 : i32
      %dma_start3A_13 = tpu.memref_slice %arg8[%mul3A_2, %dma_start3A] : memref<10112x128xf32, #tpu.memory_space<vmem_shared>> -> memref<632x128xf32, #tpu.memory_space<vmem_shared>>
      tpu.enqueue_dma source(%arg4 : memref<632x128xf32, #tpu.memory_space<hbm>>) target(%dma_start3A_13 : memref<632x128xf32, #tpu.memory_space<vmem_shared>>) target_semaphore(%run_scoped3A : memref<!tpu.dma_semaphore, #tpu.memory_space<semaphore_mem>>)
      %dma_wait3A = arith.constant 0 : i32
      %dma_wait3A_14 = tpu.memref_slice %arg8[%mul3A_2, %dma_wait3A] : memref<10112x128xf32, #tpu.memory_space<vmem_shared>> -> memref<632x128xf32, #tpu.memory_space<vmem_shared>>
      tpu.wait_dma2 semaphore(%run_scoped3A : memref<!tpu.dma_semaphore, #tpu.memory_space<semaphore_mem>>) src(%arg4 : memref<632x128xf32, #tpu.memory_space<hbm>>) dst(%dma_wait3A_14 : memref<632x128xf32, #tpu.memory_space<vmem_shared>>)
      tpu.yield
    }) : () -> ()
    "tpu.trace_stop"() : () -> ()
    "tpu.trace_start"() <{level = 10 : i32, message = "sc_idx"}> : () -> ()
    "tpu.region"() ({
      %run_scoped3A = tpu.sem_alloc : memref<!tpu.dma_semaphore, #tpu.memory_space<semaphore_mem>>
      %dma_start3A = arith.constant 0 : i32
      %dma_start3A_13 = arith.constant 0 : i32
      %dma_start3A_14 = arith.constant 0 : i32
      %dma_start3A_15 = tpu.memref_slice %arg3[%add3A, %dma_start3A, %dma_start3A_13, %dma_start3A_14] : memref<32x79x2x128xi32, #tpu.memory_space<hbm>> -> memref<1x79x2x128xi32, #tpu.memory_space<hbm>>
      %dma_start3A_16 = tpu.memref_squeeze %dma_start3A_15 : memref<1x79x2x128xi32, #tpu.memory_space<hbm>> -> memref<79x2x128xi32, #tpu.memory_space<hbm>>
      %dma_start3A_17 = arith.constant 0 : i32
      %dma_start3A_18 = arith.constant 0 : i32
      %dma_start3A_19 = arith.constant 0 : i32
      %dma_start3A_20 = tpu.memref_slice %arg3[%add3A, %dma_start3A_17, %dma_start3A_18, %dma_start3A_19] : memref<32x79x2x128xi32, #tpu.memory_space<hbm>> -> memref<1x79x2x128xi32, #tpu.memory_space<hbm>>
      %dma_start3A_21 = tpu.memref_squeeze %dma_start3A_20 : memref<1x79x2x128xi32, #tpu.memory_space<hbm>> -> memref<79x2x128xi32, #tpu.memory_space<hbm>>
      tpu.enqueue_dma source(%dma_start3A_21 : memref<79x2x128xi32, #tpu.memory_space<hbm>>) target(%arg6 : memref<79x2x128xi32, #tpu.memory_space<vmem>>) target_semaphore(%run_scoped3A : memref<!tpu.dma_semaphore, #tpu.memory_space<semaphore_mem>>)
      %dma_wait3A = arith.constant 0 : i32
      %dma_wait3A_22 = arith.constant 0 : i32
      %dma_wait3A_23 = arith.constant 0 : i32
      %dma_wait3A_24 = tpu.memref_slice %arg3[%add3A, %dma_wait3A, %dma_wait3A_22, %dma_wait3A_23] : memref<32x79x2x128xi32, #tpu.memory_space<hbm>> -> memref<1x79x2x128xi32, #tpu.memory_space<hbm>>
      %dma_wait3A_25 = tpu.memref_squeeze %dma_wait3A_24 : memref<1x79x2x128xi32, #tpu.memory_space<hbm>> -> memref<79x2x128xi32, #tpu.memory_space<hbm>>
      %dma_wait3A_26 = arith.constant 0 : i32
      %dma_wait3A_27 = arith.constant 0 : i32
      %dma_wait3A_28 = arith.constant 0 : i32
      %dma_wait3A_29 = tpu.memref_slice %arg3[%add3A, %dma_wait3A_26, %dma_wait3A_27, %dma_wait3A_28] : memref<32x79x2x128xi32, #tpu.memory_space<hbm>> -> memref<1x79x2x128xi32, #tpu.memory_space<hbm>>
      %dma_wait3A_30 = tpu.memref_squeeze %dma_wait3A_29 : memref<1x79x2x128xi32, #tpu.memory_space<hbm>> -> memref<79x2x128xi32, #tpu.memory_space<hbm>>
      tpu.wait_dma2 semaphore(%run_scoped3A : memref<!tpu.dma_semaphore, #tpu.memory_space<semaphore_mem>>) src(%dma_wait3A_30 : memref<79x2x128xi32, #tpu.memory_space<hbm>>) dst(%arg6 : memref<79x2x128xi32, #tpu.memory_space<vmem>>)
      tpu.yield
    }) : () -> ()
    "tpu.trace_stop"() : () -> ()
    %barrier3A = arith.constant 0 : index
    tpu.barrier barrier_id(%barrier3A)
    "tpu.trace_start"() <{level = 10 : i32, message = "sc_edges"}> : () -> ()
    %scan3A = arith.constant 0 : i32
    %scan3A_3 = arith.constant 0 : i32
    %scan3A_4 = arith.constant 79 : i32
    %scan3A_5 = arith.addi %scan3A_3, %scan3A_4 : i32
    %scan3A_6 = arith.constant 1 : i32
    scf.for %scan3A_13 = %scan3A_3 to %scan3A_5 step %scan3A_6  : i32 {
      %run_scoped3A = arith.constant 0 : i32
      "tpu.region"() ({
        %run_scoped3A_15 = tpu.sem_alloc : memref<!tpu.dma_semaphore, #tpu.memory_space<semaphore_mem>>
        %dma_start3A = arith.constant 0 : i32
        %dma_start3A_16 = tpu.memref_slice %arg6[%scan3A_13, %run_scoped3A, %dma_start3A] : memref<79x2x128xi32, #tpu.memory_space<vmem>> -> memref<1x1x128xi32, #tpu.memory_space<vmem>>
        %dma_start3A_17 = tpu.memref_squeeze %dma_start3A_16 : memref<1x1x128xi32, #tpu.memory_space<vmem>> -> memref<128xi32, #tpu.memory_space<vmem>>
        %dma_start3A_18 = arith.constant 0 : i32
        %dma_start3A_19 = arith.constant 0 : i32
        %dma_start3A_20 = tpu.memref_slice %arg2[%dma_start3A_18, %dma_start3A_19] : memref<10000x128xf32, #tpu.memory_space<hbm>> -> memref<10000x128xf32, #tpu.memory_space<hbm>>
        tpu.enqueue_indirect_dma source(%dma_start3A_20 : memref<10000x128xf32, #tpu.memory_space<hbm>>) target(%arg7 : memref<128x128xf32, #tpu.memory_space<vmem>>) offsets(%dma_start3A_17 : memref<128xi32, #tpu.memory_space<vmem>>) semaphore(%run_scoped3A_15 : memref<!tpu.dma_semaphore, #tpu.memory_space<semaphore_mem>>)
        %dma_wait3A = arith.constant 0 : i32
        %dma_wait3A_21 = tpu.memref_slice %arg6[%scan3A_13, %run_scoped3A, %dma_wait3A] : memref<79x2x128xi32, #tpu.memory_space<vmem>> -> memref<1x1x128xi32, #tpu.memory_space<vmem>>
        %dma_wait3A_22 = tpu.memref_squeeze %dma_wait3A_21 : memref<1x1x128xi32, #tpu.memory_space<vmem>> -> memref<128xi32, #tpu.memory_space<vmem>>
        %dma_wait3A_23 = arith.constant 0 : i32
        %dma_wait3A_24 = arith.constant 0 : i32
        %dma_wait3A_25 = tpu.memref_slice %arg2[%dma_wait3A_23, %dma_wait3A_24] : memref<10000x128xf32, #tpu.memory_space<hbm>> -> memref<10000x128xf32, #tpu.memory_space<hbm>>
        tpu.wait_indirect_dma semaphore(%run_scoped3A_15 : memref<!tpu.dma_semaphore, #tpu.memory_space<semaphore_mem>>) src(%dma_wait3A_25 : memref<10000x128xf32, #tpu.memory_space<hbm>>) dst(%arg7 : memref<128x128xf32, #tpu.memory_space<vmem>>)
        tpu.yield
      }) : () -> ()
      %run_scoped3A_14 = arith.constant 1 : i32
      "tpu.region"() ({
        %run_scoped3A_15 = tpu.sem_alloc : memref<!tpu.dma_semaphore, #tpu.memory_space<semaphore_mem>>
        %dma_start3A = arith.constant 0 : i32
        %dma_start3A_16 = tpu.memref_slice %arg6[%scan3A_13, %run_scoped3A_14, %dma_start3A] : memref<79x2x128xi32, #tpu.memory_space<vmem>> -> memref<1x1x128xi32, #tpu.memory_space<vmem>>
        %dma_start3A_17 = tpu.memref_squeeze %dma_start3A_16 : memref<1x1x128xi32, #tpu.memory_space<vmem>> -> memref<128xi32, #tpu.memory_space<vmem>>
        %dma_start3A_18 = arith.constant 0 : i32
        %dma_start3A_19 = arith.constant 0 : i32
        %dma_start3A_20 = tpu.memref_slice %arg8[%dma_start3A_18, %dma_start3A_19] : memref<10112x128xf32, #tpu.memory_space<vmem_shared>> -> memref<10112x128xf32, #tpu.memory_space<vmem_shared>>
        tpu.enqueue_indirect_dma source(%arg7 : memref<128x128xf32, #tpu.memory_space<vmem>>) target(%dma_start3A_20 : memref<10112x128xf32, #tpu.memory_space<vmem_shared>>) offsets(%dma_start3A_17 : memref<128xi32, #tpu.memory_space<vmem>>) semaphore(%run_scoped3A_15 : memref<!tpu.dma_semaphore, #tpu.memory_space<semaphore_mem>>) {add = true}
        %dma_wait3A = arith.constant 0 : i32
        %dma_wait3A_21 = tpu.memref_slice %arg6[%scan3A_13, %run_scoped3A_14, %dma_wait3A] : memref<79x2x128xi32, #tpu.memory_space<vmem>> -> memref<1x1x128xi32, #tpu.memory_space<vmem>>
        %dma_wait3A_22 = tpu.memref_squeeze %dma_wait3A_21 : memref<1x1x128xi32, #tpu.memory_space<vmem>> -> memref<128xi32, #tpu.memory_space<vmem>>
        %dma_wait3A_23 = arith.constant 0 : i32
        %dma_wait3A_24 = arith.constant 0 : i32
        %dma_wait3A_25 = tpu.memref_slice %arg8[%dma_wait3A_23, %dma_wait3A_24] : memref<10112x128xf32, #tpu.memory_space<vmem_shared>> -> memref<10112x128xf32, #tpu.memory_space<vmem_shared>>
        tpu.wait_indirect_dma semaphore(%run_scoped3A_15 : memref<!tpu.dma_semaphore, #tpu.memory_space<semaphore_mem>>) src(%arg7 : memref<128x128xf32, #tpu.memory_space<vmem>>) dst(%dma_wait3A_25 : memref<10112x128xf32, #tpu.memory_space<vmem_shared>>)
        tpu.yield
      }) : () -> ()
    }
    %scan3A_7 = arith.constant 79 : i32
    "tpu.trace_stop"() : () -> ()
    %barrier3A_8 = arith.constant 0 : index
    tpu.barrier barrier_id(%barrier3A_8)
    "tpu.trace_start"() <{level = 10 : i32, message = "sc_out"}> : () -> ()
    %mul3A_9 = arith.constant 632 : i32
    %mul3A_10 = arith.muli %arg1, %mul3A_9 : i32
    %mul3A_11 = arith.constant 632 : i32
    %mul3A_12 = arith.muli %arg1, %mul3A_11 : i32
    "tpu.region"() ({
      %run_scoped3A = tpu.sem_alloc : memref<!tpu.dma_semaphore, #tpu.memory_space<semaphore_mem>>
      %dma_start3A = arith.constant 0 : i32
      %dma_start3A_13 = tpu.memref_slice %arg5[%arg0, %mul3A_12, %dma_start3A] : memref<2x10112x128xf32, #tpu.memory_space<hbm>> -> memref<1x632x128xf32, #tpu.memory_space<hbm>>
      %dma_start3A_14 = tpu.memref_squeeze %dma_start3A_13 : memref<1x632x128xf32, #tpu.memory_space<hbm>> -> memref<632x128xf32, #tpu.memory_space<hbm>>
      %dma_start3A_15 = arith.constant 0 : i32
      %dma_start3A_16 = tpu.memref_slice %arg8[%mul3A_10, %dma_start3A_15] : memref<10112x128xf32, #tpu.memory_space<vmem_shared>> -> memref<632x128xf32, #tpu.memory_space<vmem_shared>>
      tpu.enqueue_dma source(%dma_start3A_16 : memref<632x128xf32, #tpu.memory_space<vmem_shared>>) target(%dma_start3A_14 : memref<632x128xf32, #tpu.memory_space<hbm>>) target_semaphore(%run_scoped3A : memref<!tpu.dma_semaphore, #tpu.memory_space<semaphore_mem>>)
      %dma_wait3A = arith.constant 0 : i32
      %dma_wait3A_17 = tpu.memref_slice %arg5[%arg0, %mul3A_12, %dma_wait3A] : memref<2x10112x128xf32, #tpu.memory_space<hbm>> -> memref<1x632x128xf32, #tpu.memory_space<hbm>>
      %dma_wait3A_18 = tpu.memref_squeeze %dma_wait3A_17 : memref<1x632x128xf32, #tpu.memory_space<hbm>> -> memref<632x128xf32, #tpu.memory_space<hbm>>
      %dma_wait3A_19 = arith.constant 0 : i32
      %dma_wait3A_20 = tpu.memref_slice %arg8[%mul3A_10, %dma_wait3A_19] : memref<10112x128xf32, #tpu.memory_space<vmem_shared>> -> memref<632x128xf32, #tpu.memory_space<vmem_shared>>
      tpu.wait_dma2 semaphore(%run_scoped3A : memref<!tpu.dma_semaphore, #tpu.memory_space<semaphore_mem>>) src(%dma_wait3A_20 : memref<632x128xf32, #tpu.memory_space<vmem_shared>>) dst(%dma_wait3A_18 : memref<632x128xf32, #tpu.memory_space<hbm>>)
      tpu.yield
    }) : () -> ()
    "tpu.trace_stop"() : () -> ()
    return
  }
}

#map = affine_map<(d0, d1) -> (0, 0)>
#map1 = affine_map<(d0, d1) -> (0, 0, 0, 0)>
#map2 = affine_map<(d0, d1) -> (0, 0, 0)>
module attributes {stable_mosaic.version = 14 : i64} {
  func.func @_segsum_sc(%arg0: i32, %arg1: i32, %arg2: memref<10000x128xf32, #tpu.memory_space<hbm>>, %arg3: memref<32x79x2x128xi32, #tpu.memory_space<hbm>>, %arg4: memref<632x128xf32, #tpu.memory_space<hbm>>, %arg5: memref<2x10112x128xf32, #tpu.memory_space<hbm>>, %arg6: memref<79x2x128xi32, #tpu.memory_space<vmem>>, %arg7: memref<128x128xf32, #tpu.memory_space<vmem>>, %arg8: memref<10112x128xf32, #tpu.memory_space<vmem_shared>>) attributes {dimension_semantics = [#tpu.dimension_semantics<core_parallel>, #tpu.dimension_semantics<subcore_parallel>], iteration_bounds = array<i64: 2, 16>, scalar_prefetch = 0 : i64, scratch_operands = 3 : i64, tpu.core_type = #tpu.core_type<sc_vector_subcore>, window_params = [{transform_indices = #map}, {transform_indices = #map1}, {transform_indices = #map}, {transform_indices = #map2}]} {
    %mul3A = arith.constant 16 : i32
    %mul3A_0 = arith.muli %arg0, %mul3A : i32
    %add3A = arith.addi %mul3A_0, %arg1 : i32
    "tpu.trace_start"() <{level = 10 : i32, message = "sc_zero"}> : () -> ()
    %mul3A_1 = arith.constant 632 : i32
    %mul3A_2 = arith.muli %arg1, %mul3A_1 : i32
    "tpu.region"() ({
      %run_scoped3A = tpu.sem_alloc : memref<!tpu.dma_semaphore, #tpu.memory_space<semaphore_mem>>
      %dma_start3A = arith.constant 0 : i32
      %dma_start3A_13 = tpu.memref_slice %arg8[%mul3A_2, %dma_start3A] : memref<10112x128xf32, #tpu.memory_space<vmem_shared>> -> memref<632x128xf32, #tpu.memory_space<vmem_shared>>
      tpu.enqueue_dma source(%arg4 : memref<632x128xf32, #tpu.memory_space<hbm>>) target(%dma_start3A_13 : memref<632x128xf32, #tpu.memory_space<vmem_shared>>) target_semaphore(%run_scoped3A : memref<!tpu.dma_semaphore, #tpu.memory_space<semaphore_mem>>)
      %dma_wait3A = arith.constant 0 : i32
      %dma_wait3A_14 = tpu.memref_slice %arg8[%mul3A_2, %dma_wait3A] : memref<10112x128xf32, #tpu.memory_space<vmem_shared>> -> memref<632x128xf32, #tpu.memory_space<vmem_shared>>
      tpu.wait_dma2 semaphore(%run_scoped3A : memref<!tpu.dma_semaphore, #tpu.memory_space<semaphore_mem>>) src(%arg4 : memref<632x128xf32, #tpu.memory_space<hbm>>) dst(%dma_wait3A_14 : memref<632x128xf32, #tpu.memory_space<vmem_shared>>)
      tpu.yield
    }) : () -> ()
    "tpu.trace_stop"() : () -> ()
    "tpu.trace_start"() <{level = 10 : i32, message = "sc_idx"}> : () -> ()
    "tpu.region"() ({
      %run_scoped3A = tpu.sem_alloc : memref<!tpu.dma_semaphore, #tpu.memory_space<semaphore_mem>>
      %dma_start3A = arith.constant 0 : i32
      %dma_start3A_13 = arith.constant 0 : i32
      %dma_start3A_14 = arith.constant 0 : i32
      %dma_start3A_15 = tpu.memref_slice %arg3[%add3A, %dma_start3A, %dma_start3A_13, %dma_start3A_14] : memref<32x79x2x128xi32, #tpu.memory_space<hbm>> -> memref<1x79x2x128xi32, #tpu.memory_space<hbm>>
      %dma_start3A_16 = tpu.memref_squeeze %dma_start3A_15 : memref<1x79x2x128xi32, #tpu.memory_space<hbm>> -> memref<79x2x128xi32, #tpu.memory_space<hbm>>
      %dma_start3A_17 = arith.constant 0 : i32
      %dma_start3A_18 = arith.constant 0 : i32
      %dma_start3A_19 = arith.constant 0 : i32
      %dma_start3A_20 = tpu.memref_slice %arg3[%add3A, %dma_start3A_17, %dma_start3A_18, %dma_start3A_19] : memref<32x79x2x128xi32, #tpu.memory_space<hbm>> -> memref<1x79x2x128xi32, #tpu.memory_space<hbm>>
      %dma_start3A_21 = tpu.memref_squeeze %dma_start3A_20 : memref<1x79x2x128xi32, #tpu.memory_space<hbm>> -> memref<79x2x128xi32, #tpu.memory_space<hbm>>
      tpu.enqueue_dma source(%dma_start3A_21 : memref<79x2x128xi32, #tpu.memory_space<hbm>>) target(%arg6 : memref<79x2x128xi32, #tpu.memory_space<vmem>>) target_semaphore(%run_scoped3A : memref<!tpu.dma_semaphore, #tpu.memory_space<semaphore_mem>>)
      %dma_wait3A = arith.constant 0 : i32
      %dma_wait3A_22 = arith.constant 0 : i32
      %dma_wait3A_23 = arith.constant 0 : i32
      %dma_wait3A_24 = tpu.memref_slice %arg3[%add3A, %dma_wait3A, %dma_wait3A_22, %dma_wait3A_23] : memref<32x79x2x128xi32, #tpu.memory_space<hbm>> -> memref<1x79x2x128xi32, #tpu.memory_space<hbm>>
      %dma_wait3A_25 = tpu.memref_squeeze %dma_wait3A_24 : memref<1x79x2x128xi32, #tpu.memory_space<hbm>> -> memref<79x2x128xi32, #tpu.memory_space<hbm>>
      %dma_wait3A_26 = arith.constant 0 : i32
      %dma_wait3A_27 = arith.constant 0 : i32
      %dma_wait3A_28 = arith.constant 0 : i32
      %dma_wait3A_29 = tpu.memref_slice %arg3[%add3A, %dma_wait3A_26, %dma_wait3A_27, %dma_wait3A_28] : memref<32x79x2x128xi32, #tpu.memory_space<hbm>> -> memref<1x79x2x128xi32, #tpu.memory_space<hbm>>
      %dma_wait3A_30 = tpu.memref_squeeze %dma_wait3A_29 : memref<1x79x2x128xi32, #tpu.memory_space<hbm>> -> memref<79x2x128xi32, #tpu.memory_space<hbm>>
      tpu.wait_dma2 semaphore(%run_scoped3A : memref<!tpu.dma_semaphore, #tpu.memory_space<semaphore_mem>>) src(%dma_wait3A_30 : memref<79x2x128xi32, #tpu.memory_space<hbm>>) dst(%arg6 : memref<79x2x128xi32, #tpu.memory_space<vmem>>)
      tpu.yield
    }) : () -> ()
    "tpu.trace_stop"() : () -> ()
    %barrier3A = arith.constant 0 : index
    tpu.barrier barrier_id(%barrier3A)
    "tpu.trace_start"() <{level = 10 : i32, message = "sc_edges"}> : () -> ()
    %scan3A = arith.constant 0 : i32
    %scan3A_3 = arith.constant 0 : i32
    %scan3A_4 = arith.constant 79 : i32
    %scan3A_5 = arith.addi %scan3A_3, %scan3A_4 : i32
    %scan3A_6 = arith.constant 1 : i32
    scf.for %scan3A_13 = %scan3A_3 to %scan3A_5 step %scan3A_6  : i32 {
      %run_scoped3A = arith.constant 0 : i32
      "tpu.region"() ({
        %run_scoped3A_15 = tpu.sem_alloc : memref<!tpu.dma_semaphore, #tpu.memory_space<semaphore_mem>>
        %dma_start3A = arith.constant 0 : i32
        %dma_start3A_16 = tpu.memref_slice %arg6[%scan3A_13, %run_scoped3A, %dma_start3A] : memref<79x2x128xi32, #tpu.memory_space<vmem>> -> memref<1x1x128xi32, #tpu.memory_space<vmem>>
        %dma_start3A_17 = tpu.memref_squeeze %dma_start3A_16 : memref<1x1x128xi32, #tpu.memory_space<vmem>> -> memref<128xi32, #tpu.memory_space<vmem>>
        %dma_start3A_18 = arith.constant 0 : i32
        %dma_start3A_19 = arith.constant 0 : i32
        %dma_start3A_20 = tpu.memref_slice %arg2[%dma_start3A_18, %dma_start3A_19] : memref<10000x128xf32, #tpu.memory_space<hbm>> -> memref<10000x128xf32, #tpu.memory_space<hbm>>
        tpu.enqueue_indirect_dma source(%dma_start3A_20 : memref<10000x128xf32, #tpu.memory_space<hbm>>) target(%arg7 : memref<128x128xf32, #tpu.memory_space<vmem>>) offsets(%dma_start3A_17 : memref<128xi32, #tpu.memory_space<vmem>>) semaphore(%run_scoped3A_15 : memref<!tpu.dma_semaphore, #tpu.memory_space<semaphore_mem>>)
        %dma_wait3A = arith.constant 0 : i32
        %dma_wait3A_21 = tpu.memref_slice %arg6[%scan3A_13, %run_scoped3A, %dma_wait3A] : memref<79x2x128xi32, #tpu.memory_space<vmem>> -> memref<1x1x128xi32, #tpu.memory_space<vmem>>
        %dma_wait3A_22 = tpu.memref_squeeze %dma_wait3A_21 : memref<1x1x128xi32, #tpu.memory_space<vmem>> -> memref<128xi32, #tpu.memory_space<vmem>>
        %dma_wait3A_23 = arith.constant 0 : i32
        %dma_wait3A_24 = arith.constant 0 : i32
        %dma_wait3A_25 = tpu.memref_slice %arg2[%dma_wait3A_23, %dma_wait3A_24] : memref<10000x128xf32, #tpu.memory_space<hbm>> -> memref<10000x128xf32, #tpu.memory_space<hbm>>
        tpu.wait_indirect_dma semaphore(%run_scoped3A_15 : memref<!tpu.dma_semaphore, #tpu.memory_space<semaphore_mem>>) src(%dma_wait3A_25 : memref<10000x128xf32, #tpu.memory_space<hbm>>) dst(%arg7 : memref<128x128xf32, #tpu.memory_space<vmem>>)
        tpu.yield
      }) : () -> ()
      %run_scoped3A_14 = arith.constant 1 : i32
      "tpu.region"() ({
        %run_scoped3A_15 = tpu.sem_alloc : memref<!tpu.dma_semaphore, #tpu.memory_space<semaphore_mem>>
        %dma_start3A = arith.constant 0 : i32
        %dma_start3A_16 = tpu.memref_slice %arg6[%scan3A_13, %run_scoped3A_14, %dma_start3A] : memref<79x2x128xi32, #tpu.memory_space<vmem>> -> memref<1x1x128xi32, #tpu.memory_space<vmem>>
        %dma_start3A_17 = tpu.memref_squeeze %dma_start3A_16 : memref<1x1x128xi32, #tpu.memory_space<vmem>> -> memref<128xi32, #tpu.memory_space<vmem>>
        %dma_start3A_18 = arith.constant 0 : i32
        %dma_start3A_19 = arith.constant 0 : i32
        %dma_start3A_20 = tpu.memref_slice %arg8[%dma_start3A_18, %dma_start3A_19] : memref<10112x128xf32, #tpu.memory_space<vmem_shared>> -> memref<10112x128xf32, #tpu.memory_space<vmem_shared>>
        tpu.enqueue_indirect_dma source(%arg7 : memref<128x128xf32, #tpu.memory_space<vmem>>) target(%dma_start3A_20 : memref<10112x128xf32, #tpu.memory_space<vmem_shared>>) offsets(%dma_start3A_17 : memref<128xi32, #tpu.memory_space<vmem>>) semaphore(%run_scoped3A_15 : memref<!tpu.dma_semaphore, #tpu.memory_space<semaphore_mem>>) {add = true}
        %dma_wait3A = arith.constant 0 : i32
        %dma_wait3A_21 = tpu.memref_slice %arg6[%scan3A_13, %run_scoped3A_14, %dma_wait3A] : memref<79x2x128xi32, #tpu.memory_space<vmem>> -> memref<1x1x128xi32, #tpu.memory_space<vmem>>
        %dma_wait3A_22 = tpu.memref_squeeze %dma_wait3A_21 : memref<1x1x128xi32, #tpu.memory_space<vmem>> -> memref<128xi32, #tpu.memory_space<vmem>>
        %dma_wait3A_23 = arith.constant 0 : i32
        %dma_wait3A_24 = arith.constant 0 : i32
        %dma_wait3A_25 = tpu.memref_slice %arg8[%dma_wait3A_23, %dma_wait3A_24] : memref<10112x128xf32, #tpu.memory_space<vmem_shared>> -> memref<10112x128xf32, #tpu.memory_space<vmem_shared>>
        tpu.wait_indirect_dma semaphore(%run_scoped3A_15 : memref<!tpu.dma_semaphore, #tpu.memory_space<semaphore_mem>>) src(%arg7 : memref<128x128xf32, #tpu.memory_space<vmem>>) dst(%dma_wait3A_25 : memref<10112x128xf32, #tpu.memory_space<vmem_shared>>)
        tpu.yield
      }) : () -> ()
    }
    %scan3A_7 = arith.constant 79 : i32
    "tpu.trace_stop"() : () -> ()
    %barrier3A_8 = arith.constant 0 : index
    tpu.barrier barrier_id(%barrier3A_8)
    "tpu.trace_start"() <{level = 10 : i32, message = "sc_out"}> : () -> ()
    %mul3A_9 = arith.constant 632 : i32
    %mul3A_10 = arith.muli %arg1, %mul3A_9 : i32
    %mul3A_11 = arith.constant 632 : i32
    %mul3A_12 = arith.muli %arg1, %mul3A_11 : i32
    "tpu.region"() ({
      %run_scoped3A = tpu.sem_alloc : memref<!tpu.dma_semaphore, #tpu.memory_space<semaphore_mem>>
      %dma_start3A = arith.constant 0 : i32
      %dma_start3A_13 = tpu.memref_slice %arg5[%arg0, %mul3A_12, %dma_start3A] : memref<2x10112x128xf32, #tpu.memory_space<hbm>> -> memref<1x632x128xf32, #tpu.memory_space<hbm>>
      %dma_start3A_14 = tpu.memref_squeeze %dma_start3A_13 : memref<1x632x128xf32, #tpu.memory_space<hbm>> -> memref<632x128xf32, #tpu.memory_space<hbm>>
      %dma_start3A_15 = arith.constant 0 : i32
      %dma_start3A_16 = tpu.memref_slice %arg8[%mul3A_10, %dma_start3A_15] : memref<10112x128xf32, #tpu.memory_space<vmem_shared>> -> memref<632x128xf32, #tpu.memory_space<vmem_shared>>
      tpu.enqueue_dma source(%dma_start3A_16 : memref<632x128xf32, #tpu.memory_space<vmem_shared>>) target(%dma_start3A_14 : memref<632x128xf32, #tpu.memory_space<hbm>>) target_semaphore(%run_scoped3A : memref<!tpu.dma_semaphore, #tpu.memory_space<semaphore_mem>>)
      %dma_wait3A = arith.constant 0 : i32
      %dma_wait3A_17 = tpu.memref_slice %arg5[%arg0, %mul3A_12, %dma_wait3A] : memref<2x10112x128xf32, #tpu.memory_space<hbm>> -> memref<1x632x128xf32, #tpu.memory_space<hbm>>
      %dma_wait3A_18 = tpu.memref_squeeze %dma_wait3A_17 : memref<1x632x128xf32, #tpu.memory_space<hbm>> -> memref<632x128xf32, #tpu.memory_space<hbm>>
      %dma_wait3A_19 = arith.constant 0 : i32
      %dma_wait3A_20 = tpu.memref_slice %arg8[%mul3A_10, %dma_wait3A_19] : memref<10112x128xf32, #tpu.memory_space<vmem_shared>> -> memref<632x128xf32, #tpu.memory_space<vmem_shared>>
      tpu.wait_dma2 semaphore(%run_scoped3A : memref<!tpu.dma_semaphore, #tpu.memory_space<semaphore_mem>>) src(%dma_wait3A_20 : memref<632x128xf32, #tpu.memory_space<vmem_shared>>) dst(%dma_wait3A_18 : memref<632x128xf32, #tpu.memory_space<hbm>>)
      tpu.yield
    }) : () -> ()
    "tpu.trace_stop"() : () -> ()
    return
  }
}

#map = affine_map<(d0, d1) -> (0, 0)>
#map1 = affine_map<(d0, d1) -> (0, 0, 0, 0)>
#map2 = affine_map<(d0, d1) -> (0, 0, 0)>
module attributes {stable_mosaic.version = 14 : i64} {
  func.func @_segsum_sc(%arg0: i32, %arg1: i32, %arg2: memref<10000x128xf32, #tpu.memory_space<hbm>>, %arg3: memref<32x79x2x128xi32, #tpu.memory_space<hbm>>, %arg4: memref<632x128xf32, #tpu.memory_space<hbm>>, %arg5: memref<2x10112x128xf32, #tpu.memory_space<hbm>>, %arg6: memref<79x2x128xi32, #tpu.memory_space<vmem>>, %arg7: memref<128x128xf32, #tpu.memory_space<vmem>>, %arg8: memref<10112x128xf32, #tpu.memory_space<vmem_shared>>) attributes {dimension_semantics = [#tpu.dimension_semantics<core_parallel>, #tpu.dimension_semantics<subcore_parallel>], iteration_bounds = array<i64: 2, 16>, scalar_prefetch = 0 : i64, scratch_operands = 3 : i64, tpu.core_type = #tpu.core_type<sc_vector_subcore>, window_params = [{transform_indices = #map}, {transform_indices = #map1}, {transform_indices = #map}, {transform_indices = #map2}]} {
    %mul3A = arith.constant 16 : i32
    %mul3A_0 = arith.muli %arg0, %mul3A : i32
    %add3A = arith.addi %mul3A_0, %arg1 : i32
    "tpu.trace_start"() <{level = 10 : i32, message = "sc_zero"}> : () -> ()
    %mul3A_1 = arith.constant 632 : i32
    %mul3A_2 = arith.muli %arg1, %mul3A_1 : i32
    "tpu.region"() ({
      %run_scoped3A = tpu.sem_alloc : memref<!tpu.dma_semaphore, #tpu.memory_space<semaphore_mem>>
      %dma_start3A = arith.constant 0 : i32
      %dma_start3A_13 = tpu.memref_slice %arg8[%mul3A_2, %dma_start3A] : memref<10112x128xf32, #tpu.memory_space<vmem_shared>> -> memref<632x128xf32, #tpu.memory_space<vmem_shared>>
      tpu.enqueue_dma source(%arg4 : memref<632x128xf32, #tpu.memory_space<hbm>>) target(%dma_start3A_13 : memref<632x128xf32, #tpu.memory_space<vmem_shared>>) target_semaphore(%run_scoped3A : memref<!tpu.dma_semaphore, #tpu.memory_space<semaphore_mem>>)
      %dma_wait3A = arith.constant 0 : i32
      %dma_wait3A_14 = tpu.memref_slice %arg8[%mul3A_2, %dma_wait3A] : memref<10112x128xf32, #tpu.memory_space<vmem_shared>> -> memref<632x128xf32, #tpu.memory_space<vmem_shared>>
      tpu.wait_dma2 semaphore(%run_scoped3A : memref<!tpu.dma_semaphore, #tpu.memory_space<semaphore_mem>>) src(%arg4 : memref<632x128xf32, #tpu.memory_space<hbm>>) dst(%dma_wait3A_14 : memref<632x128xf32, #tpu.memory_space<vmem_shared>>)
      tpu.yield
    }) : () -> ()
    "tpu.trace_stop"() : () -> ()
    "tpu.trace_start"() <{level = 10 : i32, message = "sc_idx"}> : () -> ()
    "tpu.region"() ({
      %run_scoped3A = tpu.sem_alloc : memref<!tpu.dma_semaphore, #tpu.memory_space<semaphore_mem>>
      %dma_start3A = arith.constant 0 : i32
      %dma_start3A_13 = arith.constant 0 : i32
      %dma_start3A_14 = arith.constant 0 : i32
      %dma_start3A_15 = tpu.memref_slice %arg3[%add3A, %dma_start3A, %dma_start3A_13, %dma_start3A_14] : memref<32x79x2x128xi32, #tpu.memory_space<hbm>> -> memref<1x79x2x128xi32, #tpu.memory_space<hbm>>
      %dma_start3A_16 = tpu.memref_squeeze %dma_start3A_15 : memref<1x79x2x128xi32, #tpu.memory_space<hbm>> -> memref<79x2x128xi32, #tpu.memory_space<hbm>>
      %dma_start3A_17 = arith.constant 0 : i32
      %dma_start3A_18 = arith.constant 0 : i32
      %dma_start3A_19 = arith.constant 0 : i32
      %dma_start3A_20 = tpu.memref_slice %arg3[%add3A, %dma_start3A_17, %dma_start3A_18, %dma_start3A_19] : memref<32x79x2x128xi32, #tpu.memory_space<hbm>> -> memref<1x79x2x128xi32, #tpu.memory_space<hbm>>
      %dma_start3A_21 = tpu.memref_squeeze %dma_start3A_20 : memref<1x79x2x128xi32, #tpu.memory_space<hbm>> -> memref<79x2x128xi32, #tpu.memory_space<hbm>>
      tpu.enqueue_dma source(%dma_start3A_21 : memref<79x2x128xi32, #tpu.memory_space<hbm>>) target(%arg6 : memref<79x2x128xi32, #tpu.memory_space<vmem>>) target_semaphore(%run_scoped3A : memref<!tpu.dma_semaphore, #tpu.memory_space<semaphore_mem>>)
      %dma_wait3A = arith.constant 0 : i32
      %dma_wait3A_22 = arith.constant 0 : i32
      %dma_wait3A_23 = arith.constant 0 : i32
      %dma_wait3A_24 = tpu.memref_slice %arg3[%add3A, %dma_wait3A, %dma_wait3A_22, %dma_wait3A_23] : memref<32x79x2x128xi32, #tpu.memory_space<hbm>> -> memref<1x79x2x128xi32, #tpu.memory_space<hbm>>
      %dma_wait3A_25 = tpu.memref_squeeze %dma_wait3A_24 : memref<1x79x2x128xi32, #tpu.memory_space<hbm>> -> memref<79x2x128xi32, #tpu.memory_space<hbm>>
      %dma_wait3A_26 = arith.constant 0 : i32
      %dma_wait3A_27 = arith.constant 0 : i32
      %dma_wait3A_28 = arith.constant 0 : i32
      %dma_wait3A_29 = tpu.memref_slice %arg3[%add3A, %dma_wait3A_26, %dma_wait3A_27, %dma_wait3A_28] : memref<32x79x2x128xi32, #tpu.memory_space<hbm>> -> memref<1x79x2x128xi32, #tpu.memory_space<hbm>>
      %dma_wait3A_30 = tpu.memref_squeeze %dma_wait3A_29 : memref<1x79x2x128xi32, #tpu.memory_space<hbm>> -> memref<79x2x128xi32, #tpu.memory_space<hbm>>
      tpu.wait_dma2 semaphore(%run_scoped3A : memref<!tpu.dma_semaphore, #tpu.memory_space<semaphore_mem>>) src(%dma_wait3A_30 : memref<79x2x128xi32, #tpu.memory_space<hbm>>) dst(%arg6 : memref<79x2x128xi32, #tpu.memory_space<vmem>>)
      tpu.yield
    }) : () -> ()
    "tpu.trace_stop"() : () -> ()
    %barrier3A = arith.constant 0 : index
    tpu.barrier barrier_id(%barrier3A)
    "tpu.trace_start"() <{level = 10 : i32, message = "sc_edges"}> : () -> ()
    %scan3A = arith.constant 0 : i32
    %scan3A_3 = arith.constant 0 : i32
    %scan3A_4 = arith.constant 79 : i32
    %scan3A_5 = arith.addi %scan3A_3, %scan3A_4 : i32
    %scan3A_6 = arith.constant 1 : i32
    scf.for %scan3A_13 = %scan3A_3 to %scan3A_5 step %scan3A_6  : i32 {
      %run_scoped3A = arith.constant 0 : i32
      "tpu.region"() ({
        %run_scoped3A_15 = tpu.sem_alloc : memref<!tpu.dma_semaphore, #tpu.memory_space<semaphore_mem>>
        %dma_start3A = arith.constant 0 : i32
        %dma_start3A_16 = tpu.memref_slice %arg6[%scan3A_13, %run_scoped3A, %dma_start3A] : memref<79x2x128xi32, #tpu.memory_space<vmem>> -> memref<1x1x128xi32, #tpu.memory_space<vmem>>
        %dma_start3A_17 = tpu.memref_squeeze %dma_start3A_16 : memref<1x1x128xi32, #tpu.memory_space<vmem>> -> memref<128xi32, #tpu.memory_space<vmem>>
        %dma_start3A_18 = arith.constant 0 : i32
        %dma_start3A_19 = arith.constant 0 : i32
        %dma_start3A_20 = tpu.memref_slice %arg2[%dma_start3A_18, %dma_start3A_19] : memref<10000x128xf32, #tpu.memory_space<hbm>> -> memref<10000x128xf32, #tpu.memory_space<hbm>>
        tpu.enqueue_indirect_dma source(%dma_start3A_20 : memref<10000x128xf32, #tpu.memory_space<hbm>>) target(%arg7 : memref<128x128xf32, #tpu.memory_space<vmem>>) offsets(%dma_start3A_17 : memref<128xi32, #tpu.memory_space<vmem>>) semaphore(%run_scoped3A_15 : memref<!tpu.dma_semaphore, #tpu.memory_space<semaphore_mem>>)
        %dma_wait3A = arith.constant 0 : i32
        %dma_wait3A_21 = tpu.memref_slice %arg6[%scan3A_13, %run_scoped3A, %dma_wait3A] : memref<79x2x128xi32, #tpu.memory_space<vmem>> -> memref<1x1x128xi32, #tpu.memory_space<vmem>>
        %dma_wait3A_22 = tpu.memref_squeeze %dma_wait3A_21 : memref<1x1x128xi32, #tpu.memory_space<vmem>> -> memref<128xi32, #tpu.memory_space<vmem>>
        %dma_wait3A_23 = arith.constant 0 : i32
        %dma_wait3A_24 = arith.constant 0 : i32
        %dma_wait3A_25 = tpu.memref_slice %arg2[%dma_wait3A_23, %dma_wait3A_24] : memref<10000x128xf32, #tpu.memory_space<hbm>> -> memref<10000x128xf32, #tpu.memory_space<hbm>>
        tpu.wait_indirect_dma semaphore(%run_scoped3A_15 : memref<!tpu.dma_semaphore, #tpu.memory_space<semaphore_mem>>) src(%dma_wait3A_25 : memref<10000x128xf32, #tpu.memory_space<hbm>>) dst(%arg7 : memref<128x128xf32, #tpu.memory_space<vmem>>)
        tpu.yield
      }) : () -> ()
      %run_scoped3A_14 = arith.constant 1 : i32
      "tpu.region"() ({
        %run_scoped3A_15 = tpu.sem_alloc : memref<!tpu.dma_semaphore, #tpu.memory_space<semaphore_mem>>
        %dma_start3A = arith.constant 0 : i32
        %dma_start3A_16 = tpu.memref_slice %arg6[%scan3A_13, %run_scoped3A_14, %dma_start3A] : memref<79x2x128xi32, #tpu.memory_space<vmem>> -> memref<1x1x128xi32, #tpu.memory_space<vmem>>
        %dma_start3A_17 = tpu.memref_squeeze %dma_start3A_16 : memref<1x1x128xi32, #tpu.memory_space<vmem>> -> memref<128xi32, #tpu.memory_space<vmem>>
        %dma_start3A_18 = arith.constant 0 : i32
        %dma_start3A_19 = arith.constant 0 : i32
        %dma_start3A_20 = tpu.memref_slice %arg8[%dma_start3A_18, %dma_start3A_19] : memref<10112x128xf32, #tpu.memory_space<vmem_shared>> -> memref<10112x128xf32, #tpu.memory_space<vmem_shared>>
        tpu.enqueue_indirect_dma source(%arg7 : memref<128x128xf32, #tpu.memory_space<vmem>>) target(%dma_start3A_20 : memref<10112x128xf32, #tpu.memory_space<vmem_shared>>) offsets(%dma_start3A_17 : memref<128xi32, #tpu.memory_space<vmem>>) semaphore(%run_scoped3A_15 : memref<!tpu.dma_semaphore, #tpu.memory_space<semaphore_mem>>) {add = true}
        %dma_wait3A = arith.constant 0 : i32
        %dma_wait3A_21 = tpu.memref_slice %arg6[%scan3A_13, %run_scoped3A_14, %dma_wait3A] : memref<79x2x128xi32, #tpu.memory_space<vmem>> -> memref<1x1x128xi32, #tpu.memory_space<vmem>>
        %dma_wait3A_22 = tpu.memref_squeeze %dma_wait3A_21 : memref<1x1x128xi32, #tpu.memory_space<vmem>> -> memref<128xi32, #tpu.memory_space<vmem>>
        %dma_wait3A_23 = arith.constant 0 : i32
        %dma_wait3A_24 = arith.constant 0 : i32
        %dma_wait3A_25 = tpu.memref_slice %arg8[%dma_wait3A_23, %dma_wait3A_24] : memref<10112x128xf32, #tpu.memory_space<vmem_shared>> -> memref<10112x128xf32, #tpu.memory_space<vmem_shared>>
        tpu.wait_indirect_dma semaphore(%run_scoped3A_15 : memref<!tpu.dma_semaphore, #tpu.memory_space<semaphore_mem>>) src(%arg7 : memref<128x128xf32, #tpu.memory_space<vmem>>) dst(%dma_wait3A_25 : memref<10112x128xf32, #tpu.memory_space<vmem_shared>>)
        tpu.yield
      }) : () -> ()
    }
    %scan3A_7 = arith.constant 79 : i32
    "tpu.trace_stop"() : () -> ()
    %barrier3A_8 = arith.constant 0 : index
    tpu.barrier barrier_id(%barrier3A_8)
    "tpu.trace_start"() <{level = 10 : i32, message = "sc_out"}> : () -> ()
    %mul3A_9 = arith.constant 632 : i32
    %mul3A_10 = arith.muli %arg1, %mul3A_9 : i32
    %mul3A_11 = arith.constant 632 : i32
    %mul3A_12 = arith.muli %arg1, %mul3A_11 : i32
    "tpu.region"() ({
      %run_scoped3A = tpu.sem_alloc : memref<!tpu.dma_semaphore, #tpu.memory_space<semaphore_mem>>
      %dma_start3A = arith.constant 0 : i32
      %dma_start3A_13 = tpu.memref_slice %arg5[%arg0, %mul3A_12, %dma_start3A] : memref<2x10112x128xf32, #tpu.memory_space<hbm>> -> memref<1x632x128xf32, #tpu.memory_space<hbm>>
      %dma_start3A_14 = tpu.memref_squeeze %dma_start3A_13 : memref<1x632x128xf32, #tpu.memory_space<hbm>> -> memref<632x128xf32, #tpu.memory_space<hbm>>
      %dma_start3A_15 = arith.constant 0 : i32
      %dma_start3A_16 = tpu.memref_slice %arg8[%mul3A_10, %dma_start3A_15] : memref<10112x128xf32, #tpu.memory_space<vmem_shared>> -> memref<632x128xf32, #tpu.memory_space<vmem_shared>>
      tpu.enqueue_dma source(%dma_start3A_16 : memref<632x128xf32, #tpu.memory_space<vmem_shared>>) target(%dma_start3A_14 : memref<632x128xf32, #tpu.memory_space<hbm>>) target_semaphore(%run_scoped3A : memref<!tpu.dma_semaphore, #tpu.memory_space<semaphore_mem>>)
      %dma_wait3A = arith.constant 0 : i32
      %dma_wait3A_17 = tpu.memref_slice %arg5[%arg0, %mul3A_12, %dma_wait3A] : memref<2x10112x128xf32, #tpu.memory_space<hbm>> -> memref<1x632x128xf32, #tpu.memory_space<hbm>>
      %dma_wait3A_18 = tpu.memref_squeeze %dma_wait3A_17 : memref<1x632x128xf32, #tpu.memory_space<hbm>> -> memref<632x128xf32, #tpu.memory_space<hbm>>
      %dma_wait3A_19 = arith.constant 0 : i32
      %dma_wait3A_20 = tpu.memref_slice %arg8[%mul3A_10, %dma_wait3A_19] : memref<10112x128xf32, #tpu.memory_space<vmem_shared>> -> memref<632x128xf32, #tpu.memory_space<vmem_shared>>
      tpu.wait_dma2 semaphore(%run_scoped3A : memref<!tpu.dma_semaphore, #tpu.memory_space<semaphore_mem>>) src(%dma_wait3A_20 : memref<632x128xf32, #tpu.memory_space<vmem_shared>>) dst(%dma_wait3A_18 : memref<632x128xf32, #tpu.memory_space<hbm>>)
      tpu.yield
    }) : () -> ()
    "tpu.trace_stop"() : () -> ()
    return
  }
}

module attributes {stable_mosaic.version = 14 : i64} {
  func.func @_mm2_body(%arg0: i32, %arg1: memref<1000x128xf32, #tpu.memory_space<vmem>>, %arg2: memref<128x128xf32, #tpu.memory_space<vmem>>, %arg3: memref<128x128xf32, #tpu.memory_space<vmem>>, %arg4: memref<1x128xf32, #tpu.memory_space<vmem>>, %arg5: memref<1000x128xf32, #tpu.memory_space<vmem>>, %arg6: memref<1000x128xf32, #tpu.memory_space<vmem>>) attributes {dimension_semantics = [#tpu.dimension_semantics<arbitrary>], iteration_bounds = array<i64: 10>, scalar_prefetch = 0 : i64, scratch_operands = 0 : i64, tpu.core_type = #tpu.core_type<tc>, window_params = [{transform_indices = @transform_0, window_bounds = array<i64: 1000, 128>}, {pipeline_mode = #tpu.pipeline_mode<synchronous>, transform_indices = @transform_1, window_bounds = array<i64: 128, 128>}, {pipeline_mode = #tpu.pipeline_mode<synchronous>, transform_indices = @transform_2, window_bounds = array<i64: 128, 128>}, {pipeline_mode = #tpu.pipeline_mode<synchronous>, transform_indices = @transform_3, window_bounds = array<i64: 1, 128>}, {transform_indices = @transform_4, window_bounds = array<i64: 1000, 128>}, {transform_indices = @transform_5, window_bounds = array<i64: 1000, 128>}]} {
    %get3A = arith.constant 0 : index
    %get3A_0 = arith.constant 0 : index
    %get3A_1 = vector.load %arg1[%get3A, %get3A_0] : memref<1000x128xf32, #tpu.memory_space<vmem>>, vector<1000x128xf32>
    %get3A_2 = arith.constant 0 : index
    %get3A_3 = arith.constant 0 : index
    %get3A_4 = vector.load %arg2[%get3A_2, %get3A_3] : memref<128x128xf32, #tpu.memory_space<vmem>>, vector<128x128xf32>
    %dot_general3A = arith.constant dense<0.000000e+00> : vector<1000x128xf32>
    %dot_general3A_5 = tpu.matmul %get3A_1, %get3A_4, %dot_general3A {dimension_numbers = #tpu.dot_dimension_numbers<[1], [0], [0], [1], [0, 0, 1, 1], [], []>, transpose_lhs_hint = false} : vector<1000x128xf32>, vector<128x128xf32>, vector<1000x128xf32> -> vector<1000x128xf32>
    %swap3A = arith.constant 0 : index
    %swap3A_6 = arith.constant 0 : index
    %swap3A_7 = vector.load %arg5[%swap3A, %swap3A_6] : memref<1000x128xf32, #tpu.memory_space<vmem>>, vector<1000x128xf32>
    tpu.vector_store %arg5[%swap3A, %swap3A_6], %dot_general3A_5 {strides = array<i32>} : memref<1000x128xf32, #tpu.memory_space<vmem>>, vector<1000x128xf32>,
    %get3A_8 = arith.constant 0 : index
    %get3A_9 = arith.constant 0 : index
    %get3A_10 = vector.load %arg3[%get3A_8, %get3A_9] : memref<128x128xf32, #tpu.memory_space<vmem>>, vector<128x128xf32>
    %dot_general3A_11 = arith.constant dense<0.000000e+00> : vector<1000x128xf32>
    %dot_general3A_12 = tpu.matmul %get3A_1, %get3A_10, %dot_general3A_11 {dimension_numbers = #tpu.dot_dimension_numbers<[1], [0], [0], [1], [0, 0, 1, 1], [], []>, transpose_lhs_hint = false} : vector<1000x128xf32>, vector<128x128xf32>, vector<1000x128xf32> -> vector<1000x128xf32>
    %get3A_13 = arith.constant 0 : index
    %get3A_14 = arith.constant 0 : index
    %get3A_15 = vector.load %arg4[%get3A_13, %get3A_14] : memref<1x128xf32, #tpu.memory_space<vmem>>, vector<1x128xf32>
    %add3A = vector.broadcast %get3A_15 : vector<1x128xf32> to vector<1000x128xf32>
    %add3A_16 = arith.addf %dot_general3A_12, %add3A : vector<1000x128xf32>
    %swap3A_17 = arith.constant 0 : index
    %swap3A_18 = arith.constant 0 : index
    %swap3A_19 = vector.load %arg6[%swap3A_17, %swap3A_18] : memref<1000x128xf32, #tpu.memory_space<vmem>>, vector<1000x128xf32>
    tpu.vector_store %arg6[%swap3A_17, %swap3A_18], %add3A_16 {strides = array<i32>} : memref<1000x128xf32, #tpu.memory_space<vmem>>, vector<1000x128xf32>,
    return
  }
  func.func @transform_0(%arg0: i32) -> (i32, i32) {
    %c0_i32 = arith.constant 0 : i32
    %c0_i32_0 = arith.constant 0 : i32
    return %arg0, %c0_i32 : i32, i32
  }
  func.func @transform_1(%arg0: i32) -> (i32, i32) {
    %c0_i32 = arith.constant 0 : i32
    %c0_i32_0 = arith.constant 0 : i32
    %c0_i32_1 = arith.constant 0 : i32
    return %c0_i32, %c0_i32_0 : i32, i32
  }
  func.func @transform_2(%arg0: i32) -> (i32, i32) {
    %c0_i32 = arith.constant 0 : i32
    %c0_i32_0 = arith.constant 0 : i32
    %c0_i32_1 = arith.constant 0 : i32
    return %c0_i32, %c0_i32_0 : i32, i32
  }
  func.func @transform_3(%arg0: i32) -> (i32, i32) {
    %c0_i32 = arith.constant 0 : i32
    %c0_i32_0 = arith.constant 0 : i32
    %c0_i32_1 = arith.constant 0 : i32
    return %c0_i32, %c0_i32_0 : i32, i32
  }
  func.func @transform_4(%arg0: i32) -> (i32, i32) {
    %c0_i32 = arith.constant 0 : i32
    %c0_i32_0 = arith.constant 0 : i32
    return %arg0, %c0_i32 : i32, i32
  }
  func.func @transform_5(%arg0: i32) -> (i32, i32) {
    %c0_i32 = arith.constant 0 : i32
    %c0_i32_0 = arith.constant 0 : i32
    return %arg0, %c0_i32 : i32, i32
  }
}

module attributes {stable_mosaic.version = 14 : i64} {
  func.func @_stats_body(%arg0: i32, %arg1: memref<2x1000x128xf32, #tpu.memory_space<vmem>>, %arg2: memref<1000x128xf32, #tpu.memory_space<vmem>>, %arg3: memref<1000x128xf32, #tpu.memory_space<vmem>>, %arg4: memref<8x128xf32, #tpu.memory_space<vmem>>) attributes {dimension_semantics = [#tpu.dimension_semantics<arbitrary>], iteration_bounds = array<i64: 10>, scalar_prefetch = 0 : i64, scratch_operands = 0 : i64, tpu.core_type = #tpu.core_type<tc>, window_params = [{transform_indices = @transform_0, window_bounds = array<i64: 2, 1000, 128>}, {transform_indices = @transform_1, window_bounds = array<i64: 1000, 128>}, {transform_indices = @transform_2, window_bounds = array<i64: 1000, 128>}, {pipeline_mode = #tpu.pipeline_mode<synchronous>, transform_indices = @transform_3, window_bounds = array<i64: 8, 128>}]} {
    %get3A = arith.constant 0 : index
    %get3A_0 = arith.constant 0 : index
    %get3A_1 = arith.constant 0 : index
    %get3A_2 = vector.load %arg1[%get3A, %get3A_0, %get3A_1] : memref<2x1000x128xf32, #tpu.memory_space<vmem>>, vector<1x1000x128xf32>
    %get3A_3 = vector.shape_cast %get3A_2 : vector<1x1000x128xf32> to vector<1000x128xf32>
    %get3A_4 = arith.constant 1 : index
    %get3A_5 = arith.constant 0 : index
    %get3A_6 = arith.constant 0 : index
    %get3A_7 = vector.load %arg1[%get3A_4, %get3A_5, %get3A_6] : memref<2x1000x128xf32, #tpu.memory_space<vmem>>, vector<1x1000x128xf32>
    %get3A_8 = vector.shape_cast %get3A_7 : vector<1x1000x128xf32> to vector<1000x128xf32>
    %add3A = arith.addf %get3A_3, %get3A_8 : vector<1000x128xf32>
    %get3A_9 = arith.constant 0 : index
    %get3A_10 = arith.constant 0 : index
    %get3A_11 = vector.load %arg2[%get3A_9, %get3A_10] : memref<1000x128xf32, #tpu.memory_space<vmem>>, vector<1000x128xf32>
    %add3A_12 = arith.addf %add3A, %get3A_11 : vector<1000x128xf32>
    %swap3A = arith.constant 0 : index
    %swap3A_13 = arith.constant 0 : index
    %swap3A_14 = vector.load %arg3[%swap3A, %swap3A_13] : memref<1000x128xf32, #tpu.memory_space<vmem>>, vector<1000x128xf32>
    tpu.vector_store %arg3[%swap3A, %swap3A_13], %add3A_12 {strides = array<i32>} : memref<1000x128xf32, #tpu.memory_space<vmem>>, vector<1000x128xf32>,
    %reduce_sum3A = arith.constant dense<0.000000e+00> : vector<128xf32>
    %reduce_sum3A_15 = vector.multi_reduction <add>, %add3A_12, %reduce_sum3A [0] : vector<1000x128xf32> to vector<128xf32>
    %broadcast_in_dim3A = vector.shape_cast %reduce_sum3A_15 : vector<128xf32> to vector<1x128xf32>
    %mul3A = arith.mulf %add3A_12, %add3A_12 : vector<1000x128xf32>
    %reduce_sum3A_16 = arith.constant dense<0.000000e+00> : vector<128xf32>
    %reduce_sum3A_17 = vector.multi_reduction <add>, %mul3A, %reduce_sum3A_16 [0] : vector<1000x128xf32> to vector<128xf32>
    %broadcast_in_dim3A_18 = vector.shape_cast %reduce_sum3A_17 : vector<128xf32> to vector<1x128xf32>
    %broadcast_in_dim3A_19 = arith.constant 0.000000e+00 : f32
    %broadcast_in_dim3A_20 = vector.broadcast %broadcast_in_dim3A_19 : f32 to vector<6x128xf32>
    %concatenate3A = tpu.concatenate %broadcast_in_dim3A, %broadcast_in_dim3A_18, %broadcast_in_dim3A_20 in 0 : vector<1x128xf32>, vector<1x128xf32>, vector<6x128xf32> -> vector<8x128xf32>
    %eq3A = arith.constant 0 : i32
    %eq3A_21 = arith.cmpi eq, %arg0, %eq3A : i32
    %convert_element_type3A = arith.extui %eq3A_21 : i1 to i32
    %cond3A = arith.constant 0 : i32
    %cond3A_22 = arith.cmpi ne, %convert_element_type3A, %cond3A : i32
    scf.if %cond3A_22 {
      %broadcast_in_dim3A_30 = arith.constant 0.000000e+00 : f32
      %broadcast_in_dim3A_31 = vector.broadcast %broadcast_in_dim3A_30 : f32 to vector<8x128xf32>
      %swap3A_32 = arith.constant 0 : index
      %swap3A_33 = arith.constant 0 : index
      %swap3A_34 = vector.load %arg4[%swap3A_32, %swap3A_33] : memref<8x128xf32, #tpu.memory_space<vmem>>, vector<8x128xf32>
      tpu.vector_store %arg4[%swap3A_32, %swap3A_33], %broadcast_in_dim3A_31 {strides = array<i32>} : memref<8x128xf32, #tpu.memory_space<vmem>>, vector<8x128xf32>,
    } else {
    }
    %get3A_23 = arith.constant 0 : index
    %get3A_24 = arith.constant 0 : index
    %get3A_25 = vector.load %arg4[%get3A_23, %get3A_24] : memref<8x128xf32, #tpu.memory_space<vmem>>, vector<8x128xf32>
    %add3A_26 = arith.addf %get3A_25, %concatenate3A : vector<8x128xf32>
    %swap3A_27 = arith.constant 0 : index
    %swap3A_28 = arith.constant 0 : index
    %swap3A_29 = vector.load %arg4[%swap3A_27, %swap3A_28] : memref<8x128xf32, #tpu.memory_space<vmem>>, vector<8x128xf32>
    tpu.vector_store %arg4[%swap3A_27, %swap3A_28], %add3A_26 {strides = array<i32>} : memref<8x128xf32, #tpu.memory_space<vmem>>, vector<8x128xf32>,
    return
  }
  func.func @transform_0(%arg0: i32) -> (i32, i32, i32) {
    %c0_i32 = arith.constant 0 : i32
    %c0_i32_0 = arith.constant 0 : i32
    %c0_i32_1 = arith.constant 0 : i32
    return %c0_i32, %arg0, %c0_i32_0 : i32, i32, i32
  }
  func.func @transform_1(%arg0: i32) -> (i32, i32) {
    %c0_i32 = arith.constant 0 : i32
    %c0_i32_0 = arith.constant 0 : i32
    return %arg0, %c0_i32 : i32, i32
  }
  func.func @transform_2(%arg0: i32) -> (i32, i32) {
    %c0_i32 = arith.constant 0 : i32
    %c0_i32_0 = arith.constant 0 : i32
    return %arg0, %c0_i32 : i32, i32
  }
  func.func @transform_3(%arg0: i32) -> (i32, i32) {
    %c0_i32 = arith.constant 0 : i32
    %c0_i32_0 = arith.constant 0 : i32
    %c0_i32_1 = arith.constant 0 : i32
    return %c0_i32, %c0_i32_0 : i32, i32
  }
}

module attributes {stable_mosaic.version = 14 : i64} {
  func.func @body(%arg0: i32, %arg1: memref<1000x128xf32, #tpu.memory_space<vmem>>, %arg2: memref<8x128xf32, #tpu.memory_space<vmem>>, %arg3: memref<1x128xf32, #tpu.memory_space<vmem>>, %arg4: memref<1x128xf32, #tpu.memory_space<vmem>>, %arg5: memref<128x128xf32, #tpu.memory_space<vmem>>, %arg6: memref<128x128xf32, #tpu.memory_space<vmem>>, %arg7: memref<1x128xf32, #tpu.memory_space<vmem>>, %arg8: memref<1000x128xf32, #tpu.memory_space<vmem>>, %arg9: memref<1000x128xf32, #tpu.memory_space<vmem>>, %arg10: memref<1000x128xf32, #tpu.memory_space<vmem>>) attributes {dimension_semantics = [#tpu.dimension_semantics<arbitrary>], iteration_bounds = array<i64: 10>, scalar_prefetch = 0 : i64, scratch_operands = 0 : i64, tpu.core_type = #tpu.core_type<tc>, window_params = [{transform_indices = @transform_0, window_bounds = array<i64: 1000, 128>}, {pipeline_mode = #tpu.pipeline_mode<synchronous>, transform_indices = @transform_1, window_bounds = array<i64: 8, 128>}, {pipeline_mode = #tpu.pipeline_mode<synchronous>, transform_indices = @transform_2, window_bounds = array<i64: 1, 128>}, {pipeline_mode = #tpu.pipeline_mode<synchronous>, transform_indices = @transform_3, window_bounds = array<i64: 1, 128>}, {pipeline_mode = #tpu.pipeline_mode<synchronous>, transform_indices = @transform_4, window_bounds = array<i64: 128, 128>}, {pipeline_mode = #tpu.pipeline_mode<synchronous>, transform_indices = @transform_5, window_bounds = array<i64: 128, 128>}, {pipeline_mode = #tpu.pipeline_mode<synchronous>, transform_indices = @transform_6, window_bounds = array<i64: 1, 128>}, {transform_indices = @transform_7, window_bounds = array<i64: 1000, 128>}, {transform_indices = @transform_8, window_bounds = array<i64: 1000, 128>}, {transform_indices = @transform_9, window_bounds = array<i64: 1000, 128>}]} {
    %get3A = arith.constant 0 : index
    %get3A_0 = arith.constant 0 : index
    %get3A_1 = vector.load %arg2[%get3A, %get3A_0] : memref<8x128xf32, #tpu.memory_space<vmem>>, vector<8x128xf32>
    %slice3A = vector.extract_strided_slice %get3A_1 {offsets = [0, 0], sizes = [1, 128], strides = [1, 1]} : vector<8x128xf32> to vector<1x128xf32>
    %mul3A = arith.constant 9.99999974E-5 : f32
    %mul3A_2 = vector.broadcast %mul3A : f32 to vector<1x128xf32>
    %mul3A_3 = arith.mulf %slice3A, %mul3A_2 : vector<1x128xf32>
    %slice3A_4 = vector.extract_strided_slice %get3A_1 {offsets = [1, 0], sizes = [1, 128], strides = [1, 1]} : vector<8x128xf32> to vector<1x128xf32>
    %mul3A_5 = arith.constant 9.99999974E-5 : f32
    %mul3A_6 = vector.broadcast %mul3A_5 : f32 to vector<1x128xf32>
    %mul3A_7 = arith.mulf %slice3A_4, %mul3A_6 : vector<1x128xf32>
    %mul3A_8 = arith.mulf %mul3A_3, %mul3A_3 : vector<1x128xf32>
    %sub3A = arith.subf %mul3A_7, %mul3A_8 : vector<1x128xf32>
    %add3A = arith.constant 9.99999974E-6 : f32
    %add3A_9 = vector.broadcast %add3A : f32 to vector<1x128xf32>
    %add3A_10 = arith.addf %sub3A, %add3A_9 : vector<1x128xf32>
    %rsqrt3A = math.rsqrt %add3A_10 : vector<1x128xf32>
    %get3A_11 = arith.constant 0 : index
    %get3A_12 = arith.constant 0 : index
    %get3A_13 = vector.load %arg3[%get3A_11, %get3A_12] : memref<1x128xf32, #tpu.memory_space<vmem>>, vector<1x128xf32>
    %get3A_14 = arith.constant 0 : index
    %get3A_15 = arith.constant 0 : index
    %get3A_16 = vector.load %arg1[%get3A_14, %get3A_15] : memref<1000x128xf32, #tpu.memory_space<vmem>>, vector<1000x128xf32>
    %sub3A_17 = vector.broadcast %mul3A_3 : vector<1x128xf32> to vector<1000x128xf32>
    %sub3A_18 = arith.subf %get3A_16, %sub3A_17 : vector<1000x128xf32>
    %mul3A_19 = vector.broadcast %get3A_13 : vector<1x128xf32> to vector<1000x128xf32>
    %mul3A_20 = arith.mulf %mul3A_19, %sub3A_18 : vector<1000x128xf32>
    %mul3A_21 = vector.broadcast %rsqrt3A : vector<1x128xf32> to vector<1000x128xf32>
    %mul3A_22 = arith.mulf %mul3A_20, %mul3A_21 : vector<1000x128xf32>
    %get3A_23 = arith.constant 0 : index
    %get3A_24 = arith.constant 0 : index
    %get3A_25 = vector.load %arg4[%get3A_23, %get3A_24] : memref<1x128xf32, #tpu.memory_space<vmem>>, vector<1x128xf32>
    %add3A_26 = vector.broadcast %get3A_25 : vector<1x128xf32> to vector<1000x128xf32>
    %add3A_27 = arith.addf %mul3A_22, %add3A_26 : vector<1000x128xf32>
    %max3A = arith.constant 0.000000e+00 : f32
    %max3A_28 = vector.broadcast %max3A : f32 to vector<1000x128xf32>
    %max3A_29 = arith.maximumf %add3A_27, %max3A_28 : vector<1000x128xf32>
    %swap3A = arith.constant 0 : index
    %swap3A_30 = arith.constant 0 : index
    %swap3A_31 = vector.load %arg8[%swap3A, %swap3A_30] : memref<1000x128xf32, #tpu.memory_space<vmem>>, vector<1000x128xf32>
    tpu.vector_store %arg8[%swap3A, %swap3A_30], %max3A_29 {strides = array<i32>} : memref<1000x128xf32, #tpu.memory_space<vmem>>, vector<1000x128xf32>,
    %get3A_32 = arith.constant 0 : index
    %get3A_33 = arith.constant 0 : index
    %get3A_34 = vector.load %arg5[%get3A_32, %get3A_33] : memref<128x128xf32, #tpu.memory_space<vmem>>, vector<128x128xf32>
    %dot_general3A = arith.constant dense<0.000000e+00> : vector<1000x128xf32>
    %dot_general3A_35 = tpu.matmul %max3A_29, %get3A_34, %dot_general3A {dimension_numbers = #tpu.dot_dimension_numbers<[1], [0], [0], [1], [0, 0, 1, 1], [], []>, transpose_lhs_hint = false} : vector<1000x128xf32>, vector<128x128xf32>, vector<1000x128xf32> -> vector<1000x128xf32>
    %swap3A_36 = arith.constant 0 : index
    %swap3A_37 = arith.constant 0 : index
    %swap3A_38 = vector.load %arg9[%swap3A_36, %swap3A_37] : memref<1000x128xf32, #tpu.memory_space<vmem>>, vector<1000x128xf32>
    tpu.vector_store %arg9[%swap3A_36, %swap3A_37], %dot_general3A_35 {strides = array<i32>} : memref<1000x128xf32, #tpu.memory_space<vmem>>, vector<1000x128xf32>,
    %get3A_39 = arith.constant 0 : index
    %get3A_40 = arith.constant 0 : index
    %get3A_41 = vector.load %arg6[%get3A_39, %get3A_40] : memref<128x128xf32, #tpu.memory_space<vmem>>, vector<128x128xf32>
    %dot_general3A_42 = arith.constant dense<0.000000e+00> : vector<1000x128xf32>
    %dot_general3A_43 = tpu.matmul %max3A_29, %get3A_41, %dot_general3A_42 {dimension_numbers = #tpu.dot_dimension_numbers<[1], [0], [0], [1], [0, 0, 1, 1], [], []>, transpose_lhs_hint = false} : vector<1000x128xf32>, vector<128x128xf32>, vector<1000x128xf32> -> vector<1000x128xf32>
    %get3A_44 = arith.constant 0 : index
    %get3A_45 = arith.constant 0 : index
    %get3A_46 = vector.load %arg7[%get3A_44, %get3A_45] : memref<1x128xf32, #tpu.memory_space<vmem>>, vector<1x128xf32>
    %add3A_47 = vector.broadcast %get3A_46 : vector<1x128xf32> to vector<1000x128xf32>
    %add3A_48 = arith.addf %dot_general3A_43, %add3A_47 : vector<1000x128xf32>
    %swap3A_49 = arith.constant 0 : index
    %swap3A_50 = arith.constant 0 : index
    %swap3A_51 = vector.load %arg10[%swap3A_49, %swap3A_50] : memref<1000x128xf32, #tpu.memory_space<vmem>>, vector<1000x128xf32>
    tpu.vector_store %arg10[%swap3A_49, %swap3A_50], %add3A_48 {strides = array<i32>} : memref<1000x128xf32, #tpu.memory_space<vmem>>, vector<1000x128xf32>,
    return
  }
  func.func @transform_0(%arg0: i32) -> (i32, i32) {
    %c0_i32 = arith.constant 0 : i32
    %c0_i32_0 = arith.constant 0 : i32
    return %arg0, %c0_i32 : i32, i32
  }
  func.func @transform_1(%arg0: i32) -> (i32, i32) {
    %c0_i32 = arith.constant 0 : i32
    %c0_i32_0 = arith.constant 0 : i32
    %c0_i32_1 = arith.constant 0 : i32
    return %c0_i32, %c0_i32_0 : i32, i32
  }
  func.func @transform_2(%arg0: i32) -> (i32, i32) {
    %c0_i32 = arith.constant 0 : i32
    %c0_i32_0 = arith.constant 0 : i32
    %c0_i32_1 = arith.constant 0 : i32
    return %c0_i32, %c0_i32_0 : i32, i32
  }
  func.func @transform_3(%arg0: i32) -> (i32, i32) {
    %c0_i32 = arith.constant 0 : i32
    %c0_i32_0 = arith.constant 0 : i32
    %c0_i32_1 = arith.constant 0 : i32
    return %c0_i32, %c0_i32_0 : i32, i32
  }
  func.func @transform_4(%arg0: i32) -> (i32, i32) {
    %c0_i32 = arith.constant 0 : i32
    %c0_i32_0 = arith.constant 0 : i32
    %c0_i32_1 = arith.constant 0 : i32
    return %c0_i32, %c0_i32_0 : i32, i32
  }
  func.func @transform_5(%arg0: i32) -> (i32, i32) {
    %c0_i32 = arith.constant 0 : i32
    %c0_i32_0 = arith.constant 0 : i32
    %c0_i32_1 = arith.constant 0 : i32
    return %c0_i32, %c0_i32_0 : i32, i32
  }
  func.func @transform_6(%arg0: i32) -> (i32, i32) {
    %c0_i32 = arith.constant 0 : i32
    %c0_i32_0 = arith.constant 0 : i32
    %c0_i32_1 = arith.constant 0 : i32
    return %c0_i32, %c0_i32_0 : i32, i32
  }
  func.func @transform_7(%arg0: i32) -> (i32, i32) {
    %c0_i32 = arith.constant 0 : i32
    %c0_i32_0 = arith.constant 0 : i32
    return %arg0, %c0_i32 : i32, i32
  }
  func.func @transform_8(%arg0: i32) -> (i32, i32) {
    %c0_i32 = arith.constant 0 : i32
    %c0_i32_0 = arith.constant 0 : i32
    return %arg0, %c0_i32 : i32, i32
  }
  func.func @transform_9(%arg0: i32) -> (i32, i32) {
    %c0_i32 = arith.constant 0 : i32
    %c0_i32_0 = arith.constant 0 : i32
    return %arg0, %c0_i32 : i32, i32
  }
}

module attributes {stable_mosaic.version = 14 : i64} {
  func.func @body(%arg0: i32, %arg1: memref<1000x128xf32, #tpu.memory_space<vmem>>, %arg2: memref<8x128xf32, #tpu.memory_space<vmem>>, %arg3: memref<1x128xf32, #tpu.memory_space<vmem>>, %arg4: memref<1x128xf32, #tpu.memory_space<vmem>>, %arg5: memref<1000x128xf32, #tpu.memory_space<vmem>>, %arg6: memref<128x128xf32, #tpu.memory_space<vmem>>, %arg7: memref<128x128xf32, #tpu.memory_space<vmem>>, %arg8: memref<1x128xf32, #tpu.memory_space<vmem>>, %arg9: memref<1000x128xf32, #tpu.memory_space<vmem>>, %arg10: memref<1000x128xf32, #tpu.memory_space<vmem>>, %arg11: memref<1000x128xf32, #tpu.memory_space<vmem>>) attributes {dimension_semantics = [#tpu.dimension_semantics<arbitrary>], iteration_bounds = array<i64: 10>, scalar_prefetch = 0 : i64, scratch_operands = 0 : i64, tpu.core_type = #tpu.core_type<tc>, window_params = [{transform_indices = @transform_0, window_bounds = array<i64: 1000, 128>}, {pipeline_mode = #tpu.pipeline_mode<synchronous>, transform_indices = @transform_1, window_bounds = array<i64: 8, 128>}, {pipeline_mode = #tpu.pipeline_mode<synchronous>, transform_indices = @transform_2, window_bounds = array<i64: 1, 128>}, {pipeline_mode = #tpu.pipeline_mode<synchronous>, transform_indices = @transform_3, window_bounds = array<i64: 1, 128>}, {transform_indices = @transform_4, window_bounds = array<i64: 1000, 128>}, {pipeline_mode = #tpu.pipeline_mode<synchronous>, transform_indices = @transform_5, window_bounds = array<i64: 128, 128>}, {pipeline_mode = #tpu.pipeline_mode<synchronous>, transform_indices = @transform_6, window_bounds = array<i64: 128, 128>}, {pipeline_mode = #tpu.pipeline_mode<synchronous>, transform_indices = @transform_7, window_bounds = array<i64: 1, 128>}, {transform_indices = @transform_8, window_bounds = array<i64: 1000, 128>}, {transform_indices = @transform_9, window_bounds = array<i64: 1000, 128>}, {transform_indices = @transform_10, window_bounds = array<i64: 1000, 128>}]} {
    %get3A = arith.constant 0 : index
    %get3A_0 = arith.constant 0 : index
    %get3A_1 = vector.load %arg2[%get3A, %get3A_0] : memref<8x128xf32, #tpu.memory_space<vmem>>, vector<8x128xf32>
    %slice3A = vector.extract_strided_slice %get3A_1 {offsets = [0, 0], sizes = [1, 128], strides = [1, 1]} : vector<8x128xf32> to vector<1x128xf32>
    %mul3A = arith.constant 9.99999974E-5 : f32
    %mul3A_2 = vector.broadcast %mul3A : f32 to vector<1x128xf32>
    %mul3A_3 = arith.mulf %slice3A, %mul3A_2 : vector<1x128xf32>
    %slice3A_4 = vector.extract_strided_slice %get3A_1 {offsets = [1, 0], sizes = [1, 128], strides = [1, 1]} : vector<8x128xf32> to vector<1x128xf32>
    %mul3A_5 = arith.constant 9.99999974E-5 : f32
    %mul3A_6 = vector.broadcast %mul3A_5 : f32 to vector<1x128xf32>
    %mul3A_7 = arith.mulf %slice3A_4, %mul3A_6 : vector<1x128xf32>
    %mul3A_8 = arith.mulf %mul3A_3, %mul3A_3 : vector<1x128xf32>
    %sub3A = arith.subf %mul3A_7, %mul3A_8 : vector<1x128xf32>
    %add3A = arith.constant 9.99999974E-6 : f32
    %add3A_9 = vector.broadcast %add3A : f32 to vector<1x128xf32>
    %add3A_10 = arith.addf %sub3A, %add3A_9 : vector<1x128xf32>
    %rsqrt3A = math.rsqrt %add3A_10 : vector<1x128xf32>
    %get3A_11 = arith.constant 0 : index
    %get3A_12 = arith.constant 0 : index
    %get3A_13 = vector.load %arg3[%get3A_11, %get3A_12] : memref<1x128xf32, #tpu.memory_space<vmem>>, vector<1x128xf32>
    %get3A_14 = arith.constant 0 : index
    %get3A_15 = arith.constant 0 : index
    %get3A_16 = vector.load %arg1[%get3A_14, %get3A_15] : memref<1000x128xf32, #tpu.memory_space<vmem>>, vector<1000x128xf32>
    %sub3A_17 = vector.broadcast %mul3A_3 : vector<1x128xf32> to vector<1000x128xf32>
    %sub3A_18 = arith.subf %get3A_16, %sub3A_17 : vector<1000x128xf32>
    %mul3A_19 = vector.broadcast %get3A_13 : vector<1x128xf32> to vector<1000x128xf32>
    %mul3A_20 = arith.mulf %mul3A_19, %sub3A_18 : vector<1000x128xf32>
    %mul3A_21 = vector.broadcast %rsqrt3A : vector<1x128xf32> to vector<1000x128xf32>
    %mul3A_22 = arith.mulf %mul3A_20, %mul3A_21 : vector<1000x128xf32>
    %get3A_23 = arith.constant 0 : index
    %get3A_24 = arith.constant 0 : index
    %get3A_25 = vector.load %arg4[%get3A_23, %get3A_24] : memref<1x128xf32, #tpu.memory_space<vmem>>, vector<1x128xf32>
    %add3A_26 = vector.broadcast %get3A_25 : vector<1x128xf32> to vector<1000x128xf32>
    %add3A_27 = arith.addf %mul3A_22, %add3A_26 : vector<1000x128xf32>
    %max3A = arith.constant 0.000000e+00 : f32
    %max3A_28 = vector.broadcast %max3A : f32 to vector<1000x128xf32>
    %max3A_29 = arith.maximumf %add3A_27, %max3A_28 : vector<1000x128xf32>
    %get3A_30 = arith.constant 0 : index
    %get3A_31 = arith.constant 0 : index
    %get3A_32 = vector.load %arg5[%get3A_30, %get3A_31] : memref<1000x128xf32, #tpu.memory_space<vmem>>, vector<1000x128xf32>
    %add3A_33 = arith.addf %max3A_29, %get3A_32 : vector<1000x128xf32>
    %swap3A = arith.constant 0 : index
    %swap3A_34 = arith.constant 0 : index
    %swap3A_35 = vector.load %arg9[%swap3A, %swap3A_34] : memref<1000x128xf32, #tpu.memory_space<vmem>>, vector<1000x128xf32>
    tpu.vector_store %arg9[%swap3A, %swap3A_34], %add3A_33 {strides = array<i32>} : memref<1000x128xf32, #tpu.memory_space<vmem>>, vector<1000x128xf32>,
    %get3A_36 = arith.constant 0 : index
    %get3A_37 = arith.constant 0 : index
    %get3A_38 = vector.load %arg6[%get3A_36, %get3A_37] : memref<128x128xf32, #tpu.memory_space<vmem>>, vector<128x128xf32>
    %dot_general3A = arith.constant dense<0.000000e+00> : vector<1000x128xf32>
    %dot_general3A_39 = tpu.matmul %max3A_29, %get3A_38, %dot_general3A {dimension_numbers = #tpu.dot_dimension_numbers<[1], [0], [0], [1], [0, 0, 1, 1], [], []>, transpose_lhs_hint = false} : vector<1000x128xf32>, vector<128x128xf32>, vector<1000x128xf32> -> vector<1000x128xf32>
    %swap3A_40 = arith.constant 0 : index
    %swap3A_41 = arith.constant 0 : index
    %swap3A_42 = vector.load %arg10[%swap3A_40, %swap3A_41] : memref<1000x128xf32, #tpu.memory_space<vmem>>, vector<1000x128xf32>
    tpu.vector_store %arg10[%swap3A_40, %swap3A_41], %dot_general3A_39 {strides = array<i32>} : memref<1000x128xf32, #tpu.memory_space<vmem>>, vector<1000x128xf32>,
    %get3A_43 = arith.constant 0 : index
    %get3A_44 = arith.constant 0 : index
    %get3A_45 = vector.load %arg7[%get3A_43, %get3A_44] : memref<128x128xf32, #tpu.memory_space<vmem>>, vector<128x128xf32>
    %dot_general3A_46 = arith.constant dense<0.000000e+00> : vector<1000x128xf32>
    %dot_general3A_47 = tpu.matmul %max3A_29, %get3A_45, %dot_general3A_46 {dimension_numbers = #tpu.dot_dimension_numbers<[1], [0], [0], [1], [0, 0, 1, 1], [], []>, transpose_lhs_hint = false} : vector<1000x128xf32>, vector<128x128xf32>, vector<1000x128xf32> -> vector<1000x128xf32>
    %get3A_48 = arith.constant 0 : index
    %get3A_49 = arith.constant 0 : index
    %get3A_50 = vector.load %arg8[%get3A_48, %get3A_49] : memref<1x128xf32, #tpu.memory_space<vmem>>, vector<1x128xf32>
    %add3A_51 = vector.broadcast %get3A_50 : vector<1x128xf32> to vector<1000x128xf32>
    %add3A_52 = arith.addf %dot_general3A_47, %add3A_51 : vector<1000x128xf32>
    %swap3A_53 = arith.constant 0 : index
    %swap3A_54 = arith.constant 0 : index
    %swap3A_55 = vector.load %arg11[%swap3A_53, %swap3A_54] : memref<1000x128xf32, #tpu.memory_space<vmem>>, vector<1000x128xf32>
    tpu.vector_store %arg11[%swap3A_53, %swap3A_54], %add3A_52 {strides = array<i32>} : memref<1000x128xf32, #tpu.memory_space<vmem>>, vector<1000x128xf32>,
    return
  }
  func.func @transform_0(%arg0: i32) -> (i32, i32) {
    %c0_i32 = arith.constant 0 : i32
    %c0_i32_0 = arith.constant 0 : i32
    return %arg0, %c0_i32 : i32, i32
  }
  func.func @transform_1(%arg0: i32) -> (i32, i32) {
    %c0_i32 = arith.constant 0 : i32
    %c0_i32_0 = arith.constant 0 : i32
    %c0_i32_1 = arith.constant 0 : i32
    return %c0_i32, %c0_i32_0 : i32, i32
  }
  func.func @transform_2(%arg0: i32) -> (i32, i32) {
    %c0_i32 = arith.constant 0 : i32
    %c0_i32_0 = arith.constant 0 : i32
    %c0_i32_1 = arith.constant 0 : i32
    return %c0_i32, %c0_i32_0 : i32, i32
  }
  func.func @transform_3(%arg0: i32) -> (i32, i32) {
    %c0_i32 = arith.constant 0 : i32
    %c0_i32_0 = arith.constant 0 : i32
    %c0_i32_1 = arith.constant 0 : i32
    return %c0_i32, %c0_i32_0 : i32, i32
  }
  func.func @transform_4(%arg0: i32) -> (i32, i32) {
    %c0_i32 = arith.constant 0 : i32
    %c0_i32_0 = arith.constant 0 : i32
    return %arg0, %c0_i32 : i32, i32
  }
  func.func @transform_5(%arg0: i32) -> (i32, i32) {
    %c0_i32 = arith.constant 0 : i32
    %c0_i32_0 = arith.constant 0 : i32
    %c0_i32_1 = arith.constant 0 : i32
    return %c0_i32, %c0_i32_0 : i32, i32
  }
  func.func @transform_6(%arg0: i32) -> (i32, i32) {
    %c0_i32 = arith.constant 0 : i32
    %c0_i32_0 = arith.constant 0 : i32
    %c0_i32_1 = arith.constant 0 : i32
    return %c0_i32, %c0_i32_0 : i32, i32
  }
  func.func @transform_7(%arg0: i32) -> (i32, i32) {
    %c0_i32 = arith.constant 0 : i32
    %c0_i32_0 = arith.constant 0 : i32
    %c0_i32_1 = arith.constant 0 : i32
    return %c0_i32, %c0_i32_0 : i32, i32
  }
  func.func @transform_8(%arg0: i32) -> (i32, i32) {
    %c0_i32 = arith.constant 0 : i32
    %c0_i32_0 = arith.constant 0 : i32
    return %arg0, %c0_i32 : i32, i32
  }
  func.func @transform_9(%arg0: i32) -> (i32, i32) {
    %c0_i32 = arith.constant 0 : i32
    %c0_i32_0 = arith.constant 0 : i32
    return %arg0, %c0_i32 : i32, i32
  }
  func.func @transform_10(%arg0: i32) -> (i32, i32) {
    %c0_i32 = arith.constant 0 : i32
    %c0_i32_0 = arith.constant 0 : i32
    return %arg0, %c0_i32 : i32, i32
  }
}

module attributes {stable_mosaic.version = 14 : i64} {
  func.func @body(%arg0: i32, %arg1: memref<1000x128xf32, #tpu.memory_space<vmem>>, %arg2: memref<8x128xf32, #tpu.memory_space<vmem>>, %arg3: memref<1x128xf32, #tpu.memory_space<vmem>>, %arg4: memref<1x128xf32, #tpu.memory_space<vmem>>, %arg5: memref<1000x128xf32, #tpu.memory_space<vmem>>, %arg6: memref<1000x128xf32, #tpu.memory_space<vmem>>) attributes {dimension_semantics = [#tpu.dimension_semantics<arbitrary>], iteration_bounds = array<i64: 10>, scalar_prefetch = 0 : i64, scratch_operands = 0 : i64, tpu.core_type = #tpu.core_type<tc>, window_params = [{transform_indices = @transform_0, window_bounds = array<i64: 1000, 128>}, {pipeline_mode = #tpu.pipeline_mode<synchronous>, transform_indices = @transform_1, window_bounds = array<i64: 8, 128>}, {pipeline_mode = #tpu.pipeline_mode<synchronous>, transform_indices = @transform_2, window_bounds = array<i64: 1, 128>}, {pipeline_mode = #tpu.pipeline_mode<synchronous>, transform_indices = @transform_3, window_bounds = array<i64: 1, 128>}, {transform_indices = @transform_4, window_bounds = array<i64: 1000, 128>}, {transform_indices = @transform_5, window_bounds = array<i64: 1000, 128>}]} {
    %get3A = arith.constant 0 : index
    %get3A_0 = arith.constant 0 : index
    %get3A_1 = vector.load %arg2[%get3A, %get3A_0] : memref<8x128xf32, #tpu.memory_space<vmem>>, vector<8x128xf32>
    %slice3A = vector.extract_strided_slice %get3A_1 {offsets = [0, 0], sizes = [1, 128], strides = [1, 1]} : vector<8x128xf32> to vector<1x128xf32>
    %mul3A = arith.constant 9.99999974E-5 : f32
    %mul3A_2 = vector.broadcast %mul3A : f32 to vector<1x128xf32>
    %mul3A_3 = arith.mulf %slice3A, %mul3A_2 : vector<1x128xf32>
    %slice3A_4 = vector.extract_strided_slice %get3A_1 {offsets = [1, 0], sizes = [1, 128], strides = [1, 1]} : vector<8x128xf32> to vector<1x128xf32>
    %mul3A_5 = arith.constant 9.99999974E-5 : f32
    %mul3A_6 = vector.broadcast %mul3A_5 : f32 to vector<1x128xf32>
    %mul3A_7 = arith.mulf %slice3A_4, %mul3A_6 : vector<1x128xf32>
    %mul3A_8 = arith.mulf %mul3A_3, %mul3A_3 : vector<1x128xf32>
    %sub3A = arith.subf %mul3A_7, %mul3A_8 : vector<1x128xf32>
    %add3A = arith.constant 9.99999974E-6 : f32
    %add3A_9 = vector.broadcast %add3A : f32 to vector<1x128xf32>
    %add3A_10 = arith.addf %sub3A, %add3A_9 : vector<1x128xf32>
    %rsqrt3A = math.rsqrt %add3A_10 : vector<1x128xf32>
    %get3A_11 = arith.constant 0 : index
    %get3A_12 = arith.constant 0 : index
    %get3A_13 = vector.load %arg3[%get3A_11, %get3A_12] : memref<1x128xf32, #tpu.memory_space<vmem>>, vector<1x128xf32>
    %get3A_14 = arith.constant 0 : index
    %get3A_15 = arith.constant 0 : index
    %get3A_16 = vector.load %arg1[%get3A_14, %get3A_15] : memref<1000x128xf32, #tpu.memory_space<vmem>>, vector<1000x128xf32>
    %sub3A_17 = vector.broadcast %mul3A_3 : vector<1x128xf32> to vector<1000x128xf32>
    %sub3A_18 = arith.subf %get3A_16, %sub3A_17 : vector<1000x128xf32>
    %mul3A_19 = vector.broadcast %get3A_13 : vector<1x128xf32> to vector<1000x128xf32>
    %mul3A_20 = arith.mulf %mul3A_19, %sub3A_18 : vector<1000x128xf32>
    %mul3A_21 = vector.broadcast %rsqrt3A : vector<1x128xf32> to vector<1000x128xf32>
    %mul3A_22 = arith.mulf %mul3A_20, %mul3A_21 : vector<1000x128xf32>
    %get3A_23 = arith.constant 0 : index
    %get3A_24 = arith.constant 0 : index
    %get3A_25 = vector.load %arg4[%get3A_23, %get3A_24] : memref<1x128xf32, #tpu.memory_space<vmem>>, vector<1x128xf32>
    %add3A_26 = vector.broadcast %get3A_25 : vector<1x128xf32> to vector<1000x128xf32>
    %add3A_27 = arith.addf %mul3A_22, %add3A_26 : vector<1000x128xf32>
    %max3A = arith.constant 0.000000e+00 : f32
    %max3A_28 = vector.broadcast %max3A : f32 to vector<1000x128xf32>
    %max3A_29 = arith.maximumf %add3A_27, %max3A_28 : vector<1000x128xf32>
    %get3A_30 = arith.constant 0 : index
    %get3A_31 = arith.constant 0 : index
    %get3A_32 = vector.load %arg5[%get3A_30, %get3A_31] : memref<1000x128xf32, #tpu.memory_space<vmem>>, vector<1000x128xf32>
    %add3A_33 = arith.addf %max3A_29, %get3A_32 : vector<1000x128xf32>
    %swap3A = arith.constant 0 : index
    %swap3A_34 = arith.constant 0 : index
    %swap3A_35 = vector.load %arg6[%swap3A, %swap3A_34] : memref<1000x128xf32, #tpu.memory_space<vmem>>, vector<1000x128xf32>
    tpu.vector_store %arg6[%swap3A, %swap3A_34], %add3A_33 {strides = array<i32>} : memref<1000x128xf32, #tpu.memory_space<vmem>>, vector<1000x128xf32>,
    return
  }
  func.func @transform_0(%arg0: i32) -> (i32, i32) {
    %c0_i32 = arith.constant 0 : i32
    %c0_i32_0 = arith.constant 0 : i32
    return %arg0, %c0_i32 : i32, i32
  }
  func.func @transform_1(%arg0: i32) -> (i32, i32) {
    %c0_i32 = arith.constant 0 : i32
    %c0_i32_0 = arith.constant 0 : i32
    %c0_i32_1 = arith.constant 0 : i32
    return %c0_i32, %c0_i32_0 : i32, i32
  }
  func.func @transform_2(%arg0: i32) -> (i32, i32) {
    %c0_i32 = arith.constant 0 : i32
    %c0_i32_0 = arith.constant 0 : i32
    %c0_i32_1 = arith.constant 0 : i32
    return %c0_i32, %c0_i32_0 : i32, i32
  }
  func.func @transform_3(%arg0: i32) -> (i32, i32) {
    %c0_i32 = arith.constant 0 : i32
    %c0_i32_0 = arith.constant 0 : i32
    %c0_i32_1 = arith.constant 0 : i32
    return %c0_i32, %c0_i32_0 : i32, i32
  }
  func.func @transform_4(%arg0: i32) -> (i32, i32) {
    %c0_i32 = arith.constant 0 : i32
    %c0_i32_0 = arith.constant 0 : i32
    return %arg0, %c0_i32 : i32, i32
  }
  func.func @transform_5(%arg0: i32) -> (i32, i32) {
    %c0_i32 = arith.constant 0 : i32
    %c0_i32_0 = arith.constant 0 : i32
    return %arg0, %c0_i32 : i32, i32
  }
}

</mosaic_0001>

<sc_bundles>
// kernel: kernel.12.cloned.1.call-start
scs
__scs_entry_jumppad:
0x0: {  	(pc) =	sbr.rel $0x88, $3  }
0x1: {  	(tag) =	ssettag $0x0;
	lr =	simm.s32 $0x1  }
0x2: {  	[smem:$0x3F90] =	sst lr;
	_ =	strace $0xD0000000  }
0x3: {  	_ = 	snop  }
0x4: {  	_ = 	snop  }
0x5: {  	_ = 	snop  }
0x6: {  	_ = 	snop  }
0x7: {  	_ = 	snop  }
__scs_overlays_trampoline_lowered:
0x8: {  	[smem:$0x3F9F] =	sst s0  }
0x9: {  	[smem:$0x3FA0] =	sst s1  }
0xa: {  	[smem:$0x3FA1] =	sst s2  }
0xb: {  	[smem:$0x3FA2] =	sst s3  }
0xc: {  	[smem:$0x3FA3] =	sst s4  }
0xd: {  	[smem:$0x3FA4] =	sst s5  }
0xe: {  	[smem:$0x3FA5] =	sst s6  }
0xf: {  	[smem:$0x3FA6] =	sst s7  }
0x10: {  	[smem:$0x3FA7] =	sst s8  }
0x11: {  	[smem:$0x3FA8] =	sst s9;
	s0 =	simm.s32 @!p0 $0x0  }
0x12: {  	s1 =	sld [smem:$0x3F8E];
	s0 =	simm.s32 @p0 $0x1  }
0x13: {  	[smem:$0x3FA9] =	sst s0;
	s0 =	simm.s32 @!p1 $0x0  }
0x14: {  	s2 =	sld [smem:$0x3F8D];
	s0 =	simm.s32 @p1 $0x1  }
0x15: {  	[smem:$0x3FAA] =	sst s0;
	s0 =	simm.s32 @!p2 $0x0  }
0x16: {  	s3 =	sld [smem:$0x3FDB];
	s0 =	simm.s32 @p2 $0x1  }
0x17: {  	s4 =	simm.s32 $0x1BF5;
	[smem:$0x3FAC] =	sst s0  }
0x18: {  	s0 =	sld [smem:$0x3F8F];
	_ =	swait.ge [sflag:s4], $0x0  }
0x19: {  	s7 =	sld [smem:$0x3F90]  }
0x1a: {  	s8 =	sadd.s32 $0xFFFFE003, lr  }
0x1b: {  	s9 =	sadd.s32 $0xFFFFFEF7, lr;
	s5 =	simm.s32 $0xFFFFFFFF;
	p2 =	slt.u32 s8, $0xFFFFF086  }
0x1c: {  	p1 =	slt.u32 s9, $0xF7A;
	s5 =	simm.s32 @!p2 $0x0  }
0x1d: {  	s5 =	simm.s32 @p1 $0x1;
	p0 =	seq.s32 s7, s2  }
0x1e: {  	s7 =	smul.u32 @!p0 $0xF7A, s2;
	p2 =	seq.s32 @!p0 s5, $0x0  }
0x1f: {  	s9 =	smul.u32 $0xF7A, s1;
	s8 =	simm.s32 @!p0 $0x1BF5;
	p2 =	por !p2, p0  }
0x20: {  	[sflag:s8] =	ssyncset.s32 @!p0 $0xFFFFF086;
	s6 =	sadd.s32 @!p0 s3, s7;
	s7 =	simm.s32 @!p0 $0x108  }
0x21: {  	s3 =	sadd.s32 s3, s9;
	s6 =	sadd.s32 @!p0 $0x88, s6;
	s7 =	simm.s32 @p2 $0x1082  }
0x22: {  	[simem:s7], [sflag:s8] =	dma.local @!p0 [hbm:s6], $0xF7A  }
0x23: {  	s9 =	sor.u32 $0xD0000000, s2;
	s6 =	simm.s32 $0x108;
	_ =	swait.ge @!p0 [sflag:s8], $0x0  }
0x24: {  	s3 =	sadd.s32 $0x88, s3;
	s6 =	simm.s32 @!p1 $0x1082;
	[sflag:s4] =	ssyncset.s32 $0xFFFFF086  }
0x25: {  	[simem:s6], [sflag:s4] =	dma.local [hbm:s3], $0xF7A  }
0x26: {  	[smem:$0x3F90] =	sst s1;
	(tag) =	ssettag s2;
	_ =	strace s9  }
0x27: {  	s1 =	sld [smem:$0x3FA0]  }
0x28: {  	s2 =	sld [smem:$0x3FA1]  }
0x29: {  	s4 =	sld [smem:$0x3FA3]  }
0x2a: {  	p0 =	seq.s32 s5, $0x0;
	s5 =	sld [smem:$0x3FA4]  }
0x2b: {  	s6 =	sld [smem:$0x3FA5]  }
0x2c: {  	s7 =	sld [smem:$0x3FA6]  }
0x2d: {  	s3 =	simm.s32 $0x108;
	s8 =	sld [smem:$0x3FA7]  }
0x2e: {  	s3 =	simm.s32 @!p0 $0x1082;
	s9 =	sld [smem:$0x3FA8]  }
0x2f: {  	lr =	sadd.s32 s0, s3;
	s0 =	sld [smem:$0x3F9F]  }
0x30: {  	s3 =	sld [smem:$0x3FA2]  }
0x31: {  	[smem:$0x3FAB] =	sst s10  }
0x32: {  	s10 =	sld [smem:$0x3FA9];
	_ =	sdelay $0x3  }
0x33: {  	p0 =	seq.s32 s10, $0x1;
	s10 =	sld [smem:$0x3FAB];
	_ =	sdelay $0x3  }
0x34: {  	[smem:$0x3FAB] =	sst s10  }
0x35: {  	s10 =	sld [smem:$0x3FAA];
	_ =	sdelay $0x3  }
0x36: {  	p1 =	seq.s32 s10, $0x1;
	s10 =	sld [smem:$0x3FAB];
	_ =	sdelay $0x3  }
0x37: {  	[smem:$0x3FAB] =	sst s10  }
0x38: {  	s10 =	sld [smem:$0x3FAC]  }
0x39: {  	_ = 	snop;
	(pc) =	sbr.ind lr, $3  }
0x3a: {  	_ = 	snop  }
0x3b: {  	_ = 	snop  }
0x3c: {  	p2 =	seq.s32 s10, $0x1;
	s10 =	sld [smem:$0x3FAB]  }
0x3d: {  	_ =	shalt  }
0x3e: {  	_ =	shalt  }
0x3f: {  	_ =	shalt  }
0x40: {  	_ =	shalt  }
0x41: {  	_ =	shalt  }
0x42: {  	_ =	shalt  }
0x43: {  	_ =	shalt  }
0x44: {  	_ =	shalt  }
0x45: {  	_ =	shalt  }
0x46: {  	_ =	shalt  }
0x47: {  	_ =	shalt  }
0x48: {  	_ =	shalt  }
0x49: {  	_ =	shalt  }
0x4a: {  	_ =	shalt  }
0x4b: {  	_ =	shalt  }
0x4c: {  	_ =	shalt  }
0x4d: {  	_ =	shalt  }
0x4e: {  	_ =	shalt  }
0x4f: {  	_ =	shalt  }
0x50: {  	_ =	shalt  }
0x51: {  	_ =	shalt  }
0x52: {  	_ =	shalt  }
0x53: {  	_ =	shalt  }
0x54: {  	_ =	shalt  }
0x55: {  	_ =	shalt  }
0x56: {  	_ =	shalt  }
0x57: {  	_ =	shalt  }
0x58: {  	_ =	shalt  }
0x59: {  	_ =	shalt  }
0x5a: {  	_ =	shalt  }
0x5b: {  	_ =	shalt  }
0x5c: {  	_ =	shalt  }
0x5d: {  	_ =	shalt  }
0x5e: {  	_ =	shalt  }
0x5f: {  	_ =	shalt  }
0x60: {  	_ =	shalt  }
0x61: {  	_ =	shalt  }
0x62: {  	_ =	shalt  }
0x63: {  	_ =	shalt  }
0x64: {  	_ =	shalt  }
0x65: {  	_ =	shalt  }
0x66: {  	_ =	shalt  }
0x67: {  	_ =	shalt  }
0x68: {  	_ =	shalt  }
0x69: {  	_ =	shalt  }
0x6a: {  	_ =	shalt  }
0x6b: {  	_ =	shalt  }
0x6c: {  	_ =	shalt  }
0x6d: {  	_ =	shalt  }
0x6e: {  	_ =	shalt  }
0x6f: {  	_ =	shalt  }
0x70: {  	_ =	shalt  }
0x71: {  	_ =	shalt  }
0x72: {  	_ =	shalt  }
0x73: {  	_ =	shalt  }
0x74: {  	_ =	shalt  }
0x75: {  	_ =	shalt  }
0x76: {  	_ =	shalt  }
0x77: {  	_ =	shalt  }
0x78: {  	_ =	shalt  }
0x79: {  	_ =	shalt  }
0x7a: {  	_ =	shalt  }
0x7b: {  	_ =	shalt  }
0x7c: {  	_ =	shalt  }
0x7d: {  	_ =	shalt  }
0x7e: {  	_ =	shalt  }
0x7f: {  	_ =	shalt  }
0x80: {  	_ =	shalt  }
0x81: {  	_ =	shalt  }
0x82: {  	_ =	shalt  }
0x83: {  	_ =	shalt  }
0x84: {  	_ =	shalt  }
0x85: {  	_ =	shalt  }
0x86: {  	_ =	shalt  }
0x87: {  	_ =	shalt  }
.Lfunc_end0:
.L_simem_size_0:
called_computation_lowered:
.L_overlay_start_0:
0x88: {  	s2 =	sld [smem:$0x3FD9]  }
0x89: {  	s3 =	sld [smem:$0x3FFE];
	_ =	sdelay $0x1  }
0x8a: {  	s1 =	srdreg.scid  }
0x8b: {  	s0 =	sand.u32 $0x1, s1  }
0x8c: {  	s17 =	sshll.u32 s0, $0xA;
	s2 =	sadd.s32 s3, s2  }
0x8d: {  	s2 =	sadd.s32 s2, s17  }
0x8e: {  	[smem:$0x3FB7] =	sst s2  }
0x8f: {  	_ = 	snop  }
0x90: {  	s2 =	sld [smem:$0x3FD0];
	(tm) =	ssettm $0x1  }
0x91: {  	s18 =	sld [smem:$0x3FFB];
	_ =	sdelay $0x3  }
0x92: {  	_ =	strace s18  }
0x93: {  	s3 =	sld [smem:$0x3FFC];
	_ =	sdelay $0x3  }
0x94: {  	_ =	strace s3  }
0x95: {  	s3 =	sld [smem:$0x3FFD];
	_ =	sdelay $0x3  }
0x96: {  	_ =	strace s3  }
0x97: {  	_ =	strace $0x8FFFFFFF  }
0x98: {  	s19 =	sld [smem:$0x3FDB];
	_ =	sdelay $0x1  }
0x99: {  	s4 =	simm.s32 $_scs_section_size  }
0x9a: {  	s5 =	simm.s32 $_size__tile_overlayer_lowered;
	s6 =	simm.s32 $_tile_overlayer_lowered  }
0x9b: {  	s22 =	simm.s32 $0x1BFF;
	s21 =	sshll.u32 s6, $0x1;
	s3 =	sadd.s32 s4, s19  }
0x9c: {  	s7 =	simm.s32 $0x0;
	s20 =	sshll.u32 s5, $0x1;
	s5 =	sadd.s32 s21, s3  }
0x9d: {  	[timem:s7], [sflag:s22] =	dma.local [hbm:s5], s20  }
0x9e: {  	_ =	swait.ge [sflag:s22], s20  }
0x9f: {  	s4 =	ssub.s32 $0x0, s20;
	[sflag:s22] =	ssyncset.done $0x0  }
0xa0: {  	[sflag:s22] =	ssyncadd.s32 s4;
	_ =	sdelay $0x1  }
0xa1: {  	s23 =	simm.s32 $0x1B8B  }
0xa2: {  	_ =	swait.ge [sflag:s23], $0x1  }
0xa3: {  	[sflag:s23] =	ssyncset.done $0x0  }
0xa4: {  	s25 =	simm.s32 $0x1B8E;
	s24 =	sld [smem:$0x3FFE];
	[sflag:s23] =	ssyncadd.s32 $0xFFFFFFFF  }
0xa5: {  	s26 =	simm.s32 $execute0_lowered;
	[smem:$0x3FD2] =	sst s25  }
0xa6: {  	s5 =	sshll.u32 s26, $0x1;
	_ =	strace $0x80000046;
	[dreg:$0x1] =	wrdreg $0xFFFFFFFF  }
0xa7: {  	s28 =	simm.s32 $_size_execute0_lowered;
	s3 =	sadd.s32 s3, s5;
	[dreg:$0x0] =	wrdreg $0x0  }
0xa8: {  	s5 =	sshll.u32 s28, $0x1;
	[dreg:$0x2] =	wrdreg s3  }
0xa9: {  	[dreg:$0x3] =	wrdreg s5  }
0xaa: {  	[dreg:$0x4] =	wrdreg $0xC0  }
0xab: {  	_ =	task [dreg:s7], $0x5FFFF  }
0xac: {  	[dreg:$0x1] =	wrdreg $0xFFFFFFFF  }
0xad: {  	[dreg:$0x0] =	wrdreg $0x60  }
0xae: {  	[dreg:$0x2] =	wrdreg s2  }
0xaf: {  	[dreg:$0x3] =	wrdreg s24  }
0xb0: {  	[dreg:$0x4] =	wrdreg $0x8F000  }
0xb1: {  	[dreg:$0x5] =	wrdreg $0x9  }
0xb2: {  	_ =	task.clear_ibuf [dreg:s7], $0x6FFFF;
	_ =	strace $0x90000046  }
0xb3: {  	s29 =	simm.s32 $0x9;
	_ =	strace $0x8000004C  }
0xb4: {  	_ =	swait.ge [sflag:s29], $0x1  }
0xb5: {  	[sflag:s29] =	ssyncadd.s32 $0xFFFFFFFF  }
0xb6: {  	_ =	strace $0x9000004C  }
0xb7: {  	_ =	sfence  }
0xb8: {  	s30 =	sld [smem:$0x0];
	_ =	sdelay $0x2  }
0xb9: {  	s31 =	sshll.u32 s1, $0xD;
	s1 =	sshrl.u32 s1, $0x2  }
0xba: {  	s3 =	sand.u32 $0x4000, s31;
	s1 =	sadd.s32 s1, s30  }
0xbb: {  	s0 =	sor.u32 s3, s0;
	s1 =	sshll.u32 s1, $0x11  }
0xbc: {  	s0 =	sor.u32 s1, s0  }
0xbd: {  	s0 =	sadd.s32 $0x8F2B, s0  }
0xbe: {  	[sflag:s0] =	ssyncadd.remote.s32 $0x1  }
0xbf: {  	_ =	sfence.sel $0xFFFF  }
0xc0: {  	[dreg:$0x0] =	wrdreg $0xFFFFFFFF;
	(pc) =	sbr.abs _section_cstart, $3  }
0xc1: {  	[dreg:$0x1] =	wrdreg $0xFFFFFFFF  }
0xc2: {  	_ =	task.clear_ibuf [dreg:s7], $0x2FFFF;
	_ =	strace $0x9FFFFFFF  }
0xc3: {  	(tm) =	ssettm $0x7FFFFFFF  }
tec
execute0_lowered:
.L_overlay_start_1:
0x0: {  	(tag) =	ssettag $0x1  }
0x1: {  	s1 =	rddreg [dreg:$0x0]  }
0x2: {  	s0 =	srdreg.scid;
	s7 =	rddreg [dreg:$0x1]  }
0x3: {  	s3 =	rddreg [dreg:$0x2];
	s4 =	simm.s32 $0x0;
	s6 =	sand.u32 $0x1, s0  }
0x4: {  	s12 =	simm.s32 $0x80;
	s0 =	stileid.u32;
	s8 =	smul.u32 $0x13C000, s6  }
0x5: {  	s13 =	simm.s32 $0x4F00;
	s14 =	simm.s32 $0x0;
	s9 =	smul.u32 $0x13C00, s0  }
0x6: {  	[smem:$0x7FF] =	sst s4;
	s2 =	sshll.u32 s6, $0x4;
	s29 =	smul.u32 $0x4F000, s0  }
0x7: {  	s6 =	ssub.s32 $0x2, s6;
	s31 =	sshll.u32 s0, $0x6;
	s2 =	sor.u32 s0, s2  }
0x8: {  	s30 =	sshrl.u32 s6, $0x1;
	s5 =	smul.u32 $0x9E0, s2;
	s2 =	rddreg [dreg:$0x3]  }
0x9: {  	_ =	strace $0x80000047;
	s8 =	sadd.s32 s9, s8;
	s9 =	sshrl.u32 s29, $0x2  }
0xa: {  	s8 =	sshrl.u32 s8, $0x3;
	s11 =	sadd.s32 s9, s3;
	s9 =	sor.u32 $0x1C01, s31  }
0xb: {  	s10 =	sadd.s32 s5, s7;
	s5 =	sadd.s32 $0x18000, s7;
	s7 =	sadd.s32 s8, s7  }
0xc: {  	s8 =	ssub.s32 s6, s30;
	s6 =	sadd.s32 $0x4400, s10;
	s7 =	sadd.s32 $0x1A800, s7  }
0xd: {  	s8 =	smax.u32 s8, $0x1;
	s10 =	sshrl.u32 s11, $0x3;
	s11 =	simm.s32 $0x1  }
.LBB2_1:
0xe: {  	_ =	strace $0x80000048  }
0xf: {  	[spmem:s10], [sflag:s9] =	dma.local [hbm:s5], $0x2780  }
0x10: {  	_ =	swait.ge [sflag:s11], $0x2780  }
0x11: {  	[sflag:s11] =	ssyncset.done $0x0  }
0x12: {  	[sflag:s11] =	ssyncadd.s32 $0xFFFFD880  }
0x13: {  	_ =	strace $0x90000048  }
0x14: {  	_ =	strace $0x80000049  }
0x15: {  	[tilespmem:s4], [sflag:$0x1] =	stream.linear.gather [hbm4b:s6+s4], $0x4F00, $0x200038;
	[tilespmem:$0x1CB00] =	vst v63  }
0x16: {  	_ =	swait.ge [sflag:s11], $0x4F00  }
0x17: {  	[sflag:s11] =	ssyncset.done $0x0  }
0x18: {  	[sflag:s11] =	ssyncadd.s32 $0xFFFFB100  }
0x19: {  	_ =	strace $0x90000049  }
0x1a: {  	[bflag:$0x0] =	sbarrier.arrive $0xFFFF  }
0x1b: {  	s15 =	simm.s32 $0x0;
	_ =	strace $0x8000004A  }
0x1c: {  	[tilespmem:s13], [sflag:$0x1] =	stream.indirect.gather [hbm4b:s1+s12], $0x80, s15, s12, $0x2000b8;
	[tilespmem:$0x1CB00] =	vst v63  }
0x1d: {  	_ =	swait.ge [sflag:s11], $0x4000  }
0x1e: {  	[sflag:s11] =	ssyncset.done $0x0  }
0x1f: {  	s31 =	simm.s32 $0x80;
	[sflag:s11] =	ssyncadd.s32 $0xFFFFC000  }
0x20: {  	[spmem:s3] =	stream.indirect.scatter.add.f32 [tilespmem:s13], [sflag:$0x1], $0x80, s31, s12, $0x2000b8;
	[tilespmem:$0x1CB00] =	vst v63  }
0x21: {  	_ =	swait.ge [sflag:s11], $0x4000  }
0x22: {  	s16 =	simm.s32 $0x800;
	s15 =	simm.s32 $0x400;
	[sflag:s11] =	ssyncset.done $0x0  }
.LBB2_2:
0x23: {  	s17 =	sshra.s32 s15, $0x2  }
0x24: {  	[sflag:s11] =	ssyncadd.s32 $0xFFFFC000;
	s15 =	smov.u32 s16;
	s18 =	sadd.s32 $0x400, s16  }
0x25: {  	[tilespmem:s13], [sflag:$0x1] =	stream.indirect.gather [hbm4b:s1+s12], $0x80, s17, s12, $0x2000b8;
	[tilespmem:$0x1CB00] =	vst v63  }
0x26: {  	p0 =	sne.s32 s16, $0x13800;
	_ =	swait.ge [sflag:s11], $0x4000  }
.Ltmp0:
0x27: {  	[sflag:s11] =	ssyncset.done $0x0;
	(pc) =	sbr.rel @p0 .LBB2_2-.Ltmp0, $4  }
0x28: {  	s16 =	sadd.s32 $0x80, s17;
	[sflag:s11] =	ssyncadd.s32 $0xFFFFC000  }
0x29: {  	[spmem:s3] =	stream.indirect.scatter.add.f32 [tilespmem:s13], [sflag:$0x1], $0x80, s16, s12, $0x2000b8;
	[tilespmem:$0x1CB00] =	vst v63  }
0x2a: {  	_ =	swait.ge [sflag:s11], $0x4000  }
0x2b: {  	s16 =	smov.u32 s18;
	[sflag:s11] =	ssyncset.done $0x0  }
0x2c: {  	s15 =	sshra.s32 s15, $0x2;
	[sflag:s11] =	ssyncadd.s32 $0xFFFFC000  }
0x2d: {  	[tilespmem:s13], [sflag:$0x1] =	stream.indirect.gather [hbm4b:s1+s12], $0x80, s15, s12, $0x2000b8;
	[tilespmem:$0x1CB00] =	vst v63  }
0x2e: {  	_ =	swait.ge [sflag:s11], $0x4000  }
0x2f: {  	[sflag:s11] =	ssyncset.done $0x0  }
0x30: {  	s15 =	sadd.s32 $0x80, s15;
	[sflag:s11] =	ssyncadd.s32 $0xFFFFC000  }
0x31: {  	[spmem:s3] =	stream.indirect.scatter.add.f32 [tilespmem:s13], [sflag:$0x1], $0x80, s15, s12, $0x2000b8;
	[tilespmem:$0x1CB00] =	vst v63  }
0x32: {  	_ =	swait.ge [sflag:s11], $0x4000  }
0x33: {  	[sflag:s11] =	ssyncset.done $0x0  }
0x34: {  	[sflag:s11] =	ssyncadd.s32 $0xFFFFC000  }
0x35: {  	_ =	strace $0x9000004A  }
0x36: {  	s14 =	sadd.s32 $0x1, s14;
	[bflag:$0x0] =	sbarrier.arrive $0xFFFF  }
0x37: {  	p0 =	sne.s32 s14, s8;
	_ =	strace $0x8000004B  }
0x38: {  	[hbm:s7], [sflag:s9] =	dma.local [spmem:s10], $0x2780  }
.Ltmp1:
0x39: {  	_ = 	snop;
	(pc) =	sbr.rel @p0 .LBB2_1-.Ltmp1, $4  }
0x3a: {  	_ =	swait.ge [sflag:s11], $0x2780  }
0x3b: {  	[sflag:s11] =	ssyncset.done $0x0  }
0x3c: {  	[sflag:s11] =	ssyncadd.s32 $0xFFFFD880  }
0x3d: {  	_ =	strace $0x9000004B  }
0x3e: {  	_ =	sfence.sel $0x180000  }
0x3f: {  	[bflag:$0x0] =	sbarrier.arrive $0xFFFF  }
0x40: {  	p0 =	sne.s32 s0, $0x0;
	_ =	strace $0x90000047  }
0x41: {  	s0 =	sadd.s32 @!p0 $0x100000, s2;
	[bflag:$0x2] =	sbarrier.arrive $0xFFFF  }
0x42: {  	[sflag:s0] =	ssyncadd.tile.s32 @!p0 $0x1;
	_ =	shalt  }
.Lfunc_end2:
_tile_overlayer_lowered:
.L_overlay_start_2:
0x43: {  	(tag) =	ssettag $0x2  }
0x44: {  	s0 =	rddreg [dreg:$0x0];
	s2 =	stileid.u32  }
0x45: {  	s1 =	rddreg [dreg:$0x1];
	p0 =	sne.s32 s2, $0x0  }
0x46: {  	s3 =	rddreg [dreg:$0x2];
	[bflag:$0x3] =	sbarrier.arrive $0xFFFF;
	s2 =	simm.s32 @!p0 $0x1C01  }
0x47: {  	[timem:s3], [sflag:s2] =	dma.local @!p0 [hbm:s0], s1  }
0x48: {  	s0 =	simm.s32 @!p0 $0x1  }
0x49: {  	_ =	swait.ge @!p0 [sflag:s0], s1  }
0x4a: {  	s1 =	ssub.s32 @!p0 $0x0, s1;
	[sflag:s0] =	ssyncset.done @!p0 $0x0  }
0x4b: {  	[sflag:s0] =	ssyncadd.s32 @!p0 s1  }
0x4c: {  	[bflag:$0x3] =	sbarrier.arrive $0xFFFF  }
0x4d: {  	_ =	shalt  }

// kernel: kernel.15.cloned.1.call-start
scs
__scs_entry_jumppad:
0x0: {  	(pc) =	sbr.rel $0x88, $3  }
0x1: {  	(tag) =	ssettag $0x0;
	lr =	simm.s32 $0x1  }
0x2: {  	[smem:$0x3F90] =	sst lr;
	_ =	strace $0xD0000000  }
0x3: {  	_ = 	snop  }
0x4: {  	_ = 	snop  }
0x5: {  	_ = 	snop  }
0x6: {  	_ = 	snop  }
0x7: {  	_ = 	snop  }
__scs_overlays_trampoline_lowered:
0x8: {  	[smem:$0x3F9F] =	sst s0  }
0x9: {  	[smem:$0x3FA0] =	sst s1  }
0xa: {  	[smem:$0x3FA1] =	sst s2  }
0xb: {  	[smem:$0x3FA2] =	sst s3  }
0xc: {  	[smem:$0x3FA3] =	sst s4  }
0xd: {  	[smem:$0x3FA4] =	sst s5  }
0xe: {  	[smem:$0x3FA5] =	sst s6  }
0xf: {  	[smem:$0x3FA6] =	sst s7  }
0x10: {  	[smem:$0x3FA7] =	sst s8  }
0x11: {  	[smem:$0x3FA8] =	sst s9;
	s0 =	simm.s32 @!p0 $0x0  }
0x12: {  	s1 =	sld [smem:$0x3F8E];
	s0 =	simm.s32 @p0 $0x1  }
0x13: {  	[smem:$0x3FA9] =	sst s0;
	s0 =	simm.s32 @!p1 $0x0  }
0x14: {  	s2 =	sld [smem:$0x3F8D];
	s0 =	simm.s32 @p1 $0x1  }
0x15: {  	[smem:$0x3FAA] =	sst s0;
	s0 =	simm.s32 @!p2 $0x0  }
0x16: {  	s3 =	sld [smem:$0x3FDB];
	s0 =	simm.s32 @p2 $0x1  }
0x17: {  	s4 =	simm.s32 $0x1BF5;
	[smem:$0x3FAC] =	sst s0  }
0x18: {  	s0 =	sld [smem:$0x3F8F];
	_ =	swait.ge [sflag:s4], $0x0  }
0x19: {  	s7 =	sld [smem:$0x3F90]  }
0x1a: {  	s8 =	sadd.s32 $0xFFFFE003, lr  }
0x1b: {  	s9 =	sadd.s32 $0xFFFFFEF7, lr;
	s5 =	simm.s32 $0xFFFFFFFF;
	p2 =	slt.u32 s8, $0xFFFFF086  }
0x1c: {  	p1 =	slt.u32 s9, $0xF7A;
	s5 =	simm.s32 @!p2 $0x0  }
0x1d: {  	s5 =	simm.s32 @p1 $0x1;
	p0 =	seq.s32 s7, s2  }
0x1e: {  	s7 =	smul.u32 @!p0 $0xF7A, s2;
	p2 =	seq.s32 @!p0 s5, $0x0  }
0x1f: {  	s9 =	smul.u32 $0xF7A, s1;
	s8 =	simm.s32 @!p0 $0x1BF5;
	p2 =	por !p2, p0  }
0x20: {  	[sflag:s8] =	ssyncset.s32 @!p0 $0xFFFFF086;
	s6 =	sadd.s32 @!p0 s3, s7;
	s7 =	simm.s32 @!p0 $0x108  }
0x21: {  	s3 =	sadd.s32 s3, s9;
	s6 =	sadd.s32 @!p0 $0x88, s6;
	s7 =	simm.s32 @p2 $0x1082  }
0x22: {  	[simem:s7], [sflag:s8] =	dma.local @!p0 [hbm:s6], $0xF7A  }
0x23: {  	s9 =	sor.u32 $0xD0000000, s2;
	s6 =	simm.s32 $0x108;
	_ =	swait.ge @!p0 [sflag:s8], $0x0  }
0x24: {  	s3 =	sadd.s32 $0x88, s3;
	s6 =	simm.s32 @!p1 $0x1082;
	[sflag:s4] =	ssyncset.s32 $0xFFFFF086  }
0x25: {  	[simem:s6], [sflag:s4] =	dma.local [hbm:s3], $0xF7A  }
0x26: {  	[smem:$0x3F90] =	sst s1;
	(tag) =	ssettag s2;
	_ =	strace s9  }
0x27: {  	s1 =	sld [smem:$0x3FA0]  }
0x28: {  	s2 =	sld [smem:$0x3FA1]  }
0x29: {  	s4 =	sld [smem:$0x3FA3]  }
0x2a: {  	p0 =	seq.s32 s5, $0x0;
	s5 =	sld [smem:$0x3FA4]  }
0x2b: {  	s6 =	sld [smem:$0x3FA5]  }
0x2c: {  	s7 =	sld [smem:$0x3FA6]  }
0x2d: {  	s3 =	simm.s32 $0x108;
	s8 =	sld [smem:$0x3FA7]  }
0x2e: {  	s3 =	simm.s32 @!p0 $0x1082;
	s9 =	sld [smem:$0x3FA8]  }
0x2f: {  	lr =	sadd.s32 s0, s3;
	s0 =	sld [smem:$0x3F9F]  }
0x30: {  	s3 =	sld [smem:$0x3FA2]  }
0x31: {  	[smem:$0x3FAB] =	sst s10  }
0x32: {  	s10 =	sld [smem:$0x3FA9];
	_ =	sdelay $0x3  }
0x33: {  	p0 =	seq.s32 s10, $0x1;
	s10 =	sld [smem:$0x3FAB];
	_ =	sdelay $0x3  }
0x34: {  	[smem:$0x3FAB] =	sst s10  }
0x35: {  	s10 =	sld [smem:$0x3FAA];
	_ =	sdelay $0x3  }
0x36: {  	p1 =	seq.s32 s10, $0x1;
	s10 =	sld [smem:$0x3FAB];
	_ =	sdelay $0x3  }
0x37: {  	[smem:$0x3FAB] =	sst s10  }
0x38: {  	s10 =	sld [smem:$0x3FAC]  }
0x39: {  	_ = 	snop;
	(pc) =	sbr.ind lr, $3  }
0x3a: {  	_ = 	snop  }
0x3b: {  	_ = 	snop  }
0x3c: {  	p2 =	seq.s32 s10, $0x1;
	s10 =	sld [smem:$0x3FAB]  }
0x3d: {  	_ =	shalt  }
0x3e: {  	_ =	shalt  }
0x3f: {  	_ =	shalt  }
0x40: {  	_ =	shalt  }
0x41: {  	_ =	shalt  }
0x42: {  	_ =	shalt  }
0x43: {  	_ =	shalt  }
0x44: {  	_ =	shalt  }
0x45: {  	_ =	shalt  }
0x46: {  	_ =	shalt  }
0x47: {  	_ =	shalt  }
0x48: {  	_ =	shalt  }
0x49: {  	_ =	shalt  }
0x4a: {  	_ =	shalt  }
0x4b: {  	_ =	shalt  }
0x4c: {  	_ =	shalt  }
0x4d: {  	_ =	shalt  }
0x4e: {  	_ =	shalt  }
0x4f: {  	_ =	shalt  }
0x50: {  	_ =	shalt  }
0x51: {  	_ =	shalt  }
0x52: {  	_ =	shalt  }
0x53: {  	_ =	shalt  }
0x54: {  	_ =	shalt  }
0x55: {  	_ =	shalt  }
0x56: {  	_ =	shalt  }
0x57: {  	_ =	shalt  }
0x58: {  	_ =	shalt  }
0x59: {  	_ =	shalt  }
0x5a: {  	_ =	shalt  }
0x5b: {  	_ =	shalt  }
0x5c: {  	_ =	shalt  }
0x5d: {  	_ =	shalt  }
0x5e: {  	_ =	shalt  }
0x5f: {  	_ =	shalt  }
0x60: {  	_ =	shalt  }
0x61: {  	_ =	shalt  }
0x62: {  	_ =	shalt  }
0x63: {  	_ =	shalt  }
0x64: {  	_ =	shalt  }
0x65: {  	_ =	shalt  }
0x66: {  	_ =	shalt  }
0x67: {  	_ =	shalt  }
0x68: {  	_ =	shalt  }
0x69: {  	_ =	shalt  }
0x6a: {  	_ =	shalt  }
0x6b: {  	_ =	shalt  }
0x6c: {  	_ =	shalt  }
0x6d: {  	_ =	shalt  }
0x6e: {  	_ =	shalt  }
0x6f: {  	_ =	shalt  }
0x70: {  	_ =	shalt  }
0x71: {  	_ =	shalt  }
0x72: {  	_ =	shalt  }
0x73: {  	_ =	shalt  }
0x74: {  	_ =	shalt  }
0x75: {  	_ =	shalt  }
0x76: {  	_ =	shalt  }
0x77: {  	_ =	shalt  }
0x78: {  	_ =	shalt  }
0x79: {  	_ =	shalt  }
0x7a: {  	_ =	shalt  }
0x7b: {  	_ =	shalt  }
0x7c: {  	_ =	shalt  }
0x7d: {  	_ =	shalt  }
0x7e: {  	_ =	shalt  }
0x7f: {  	_ =	shalt  }
0x80: {  	_ =	shalt  }
0x81: {  	_ =	shalt  }
0x82: {  	_ =	shalt  }
0x83: {  	_ =	shalt  }
0x84: {  	_ =	shalt  }
0x85: {  	_ =	shalt  }
0x86: {  	_ =	shalt  }
0x87: {  	_ =	shalt  }
.Lfunc_end0:
.L_simem_size_0:
called_computation.1_lowered:
.L_overlay_start_0:
0x88: {  	s2 =	sld [smem:$0x3FD9]  }
0x89: {  	s3 =	sld [smem:$0x3FFE];
	_ =	sdelay $0x1  }
0x8a: {  	s1 =	srdreg.scid  }
0x8b: {  	s0 =	sand.u32 $0x1, s1  }
0x8c: {  	s17 =	sshll.u32 s0, $0xA;
	s2 =	sadd.s32 s3, s2  }
0x8d: {  	s2 =	sadd.s32 s2, s17  }
0x8e: {  	[smem:$0x3FB7] =	sst s2  }
0x8f: {  	_ = 	snop  }
0x90: {  	s2 =	sld [smem:$0x3FD0];
	(tm) =	ssettm $0x1  }
0x91: {  	s18 =	sld [smem:$0x3FFB];
	_ =	sdelay $0x3  }
0x92: {  	_ =	strace s18  }
0x93: {  	s3 =	sld [smem:$0x3FFC];
	_ =	sdelay $0x3  }
0x94: {  	_ =	strace s3  }
0x95: {  	s3 =	sld [smem:$0x3FFD];
	_ =	sdelay $0x3  }
0x96: {  	_ =	strace s3  }
0x97: {  	_ =	strace $0x8FFFFFFF  }
0x98: {  	s19 =	sld [smem:$0x3FDB];
	_ =	sdelay $0x1  }
0x99: {  	s4 =	simm.s32 $_scs_section_size  }
0x9a: {  	s5 =	simm.s32 $_size__tile_overlayer_lowered;
	s6 =	simm.s32 $_tile_overlayer_lowered  }
0x9b: {  	s22 =	simm.s32 $0x1BFF;
	s21 =	sshll.u32 s6, $0x1;
	s3 =	sadd.s32 s4, s19  }
0x9c: {  	s7 =	simm.s32 $0x0;
	s20 =	sshll.u32 s5, $0x1;
	s5 =	sadd.s32 s21, s3  }
0x9d: {  	[timem:s7], [sflag:s22] =	dma.local [hbm:s5], s20  }
0x9e: {  	_ =	swait.ge [sflag:s22], s20  }
0x9f: {  	s4 =	ssub.s32 $0x0, s20;
	[sflag:s22] =	ssyncset.done $0x0  }
0xa0: {  	[sflag:s22] =	ssyncadd.s32 s4;
	_ =	sdelay $0x1  }
0xa1: {  	s23 =	simm.s32 $0x1B8B  }
0xa2: {  	_ =	swait.ge [sflag:s23], $0x1  }
0xa3: {  	[sflag:s23] =	ssyncset.done $0x0  }
0xa4: {  	s25 =	simm.s32 $0x1B8E;
	s24 =	sld [smem:$0x3FFE];
	[sflag:s23] =	ssyncadd.s32 $0xFFFFFFFF  }
0xa5: {  	s26 =	simm.s32 $execute0_lowered;
	[smem:$0x3FD2] =	sst s25  }
0xa6: {  	s5 =	sshll.u32 s26, $0x1;
	_ =	strace $0x8000004D;
	[dreg:$0x1] =	wrdreg $0xFFFFFFFF  }
0xa7: {  	s28 =	simm.s32 $_size_execute0_lowered;
	s3 =	sadd.s32 s3, s5;
	[dreg:$0x0] =	wrdreg $0x0  }
0xa8: {  	s5 =	sshll.u32 s28, $0x1;
	[dreg:$0x2] =	wrdreg s3  }
0xa9: {  	[dreg:$0x3] =	wrdreg s5  }
0xaa: {  	[dreg:$0x4] =	wrdreg $0xC0  }
0xab: {  	_ =	task [dreg:s7], $0x5FFFF  }
0xac: {  	[dreg:$0x1] =	wrdreg $0xFFFFFFFF  }
0xad: {  	[dreg:$0x0] =	wrdreg $0x60  }
0xae: {  	[dreg:$0x2] =	wrdreg s2  }
0xaf: {  	[dreg:$0x3] =	wrdreg s24  }
0xb0: {  	[dreg:$0x4] =	wrdreg $0x8F000  }
0xb1: {  	[dreg:$0x5] =	wrdreg $0x9  }
0xb2: {  	_ =	task.clear_ibuf [dreg:s7], $0x6FFFF;
	_ =	strace $0x9000004D  }
0xb3: {  	s29 =	simm.s32 $0x9;
	_ =	strace $0x80000053  }
0xb4: {  	_ =	swait.ge [sflag:s29], $0x1  }
0xb5: {  	[sflag:s29] =	ssyncadd.s32 $0xFFFFFFFF  }
0xb6: {  	_ =	strace $0x90000053  }
0xb7: {  	_ =	sfence  }
0xb8: {  	s30 =	sld [smem:$0x0];
	_ =	sdelay $0x2  }
0xb9: {  	s31 =	sshll.u32 s1, $0xD;
	s1 =	sshrl.u32 s1, $0x2  }
0xba: {  	s3 =	sand.u32 $0x4000, s31;
	s1 =	sadd.s32 s1, s30  }
0xbb: {  	s0 =	sor.u32 s3, s0;
	s1 =	sshll.u32 s1, $0x11  }
0xbc: {  	s0 =	sor.u32 s1, s0  }
0xbd: {  	s0 =	sadd.s32 $0x8F2B, s0  }
0xbe: {  	[sflag:s0] =	ssyncadd.remote.s32 $0x1  }
0xbf: {  	_ =	sfence.sel $0xFFFF  }
0xc0: {  	[dreg:$0x0] =	wrdreg $0xFFFFFFFF;
	(pc) =	sbr.abs _section_cstart, $3  }
0xc1: {  	[dreg:$0x1] =	wrdreg $0xFFFFFFFF  }
0xc2: {  	_ =	task.clear_ibuf [dreg:s7], $0x2FFFF;
	_ =	strace $0x9FFFFFFF  }
0xc3: {  	(tm) =	ssettm $0x7FFFFFFF  }
tec
execute0_lowered:
.L_overlay_start_1:
0x0: {  	(tag) =	ssettag $0x1  }
0x1: {  	s1 =	rddreg [dreg:$0x0]  }
0x2: {  	s0 =	srdreg.scid;
	s7 =	rddreg [dreg:$0x1]  }
0x3: {  	s3 =	rddreg [dreg:$0x2];
	s4 =	simm.s32 $0x0;
	s6 =	sand.u32 $0x1, s0  }
0x4: {  	s12 =	simm.s32 $0x80;
	s0 =	stileid.u32;
	s8 =	smul.u32 $0x13C000, s6  }
0x5: {  	s13 =	simm.s32 $0x4F00;
	s14 =	simm.s32 $0x0;
	s9 =	smul.u32 $0x13C00, s0  }
0x6: {  	[smem:$0x7FF] =	sst s4;
	s2 =	sshll.u32 s6, $0x4;
	s29 =	smul.u32 $0x4F000, s0  }
0x7: {  	s6 =	ssub.s32 $0x2, s6;
	s31 =	sshll.u32 s0, $0x6;
	s2 =	sor.u32 s0, s2  }
0x8: {  	s30 =	sshrl.u32 s6, $0x1;
	s5 =	smul.u32 $0x9E0, s2;
	s2 =	rddreg [dreg:$0x3]  }
0x9: {  	_ =	strace $0x8000004E;
	s8 =	sadd.s32 s9, s8;
	s9 =	sshrl.u32 s29, $0x2  }
0xa: {  	s8 =	sshrl.u32 s8, $0x3;
	s11 =	sadd.s32 s9, s3;
	s9 =	sor.u32 $0x1C01, s31  }
0xb: {  	s10 =	sadd.s32 s5, s7;
	s5 =	sadd.s32 $0x18000, s7;
	s7 =	sadd.s32 s8, s7  }
0xc: {  	s8 =	ssub.s32 s6, s30;
	s6 =	sadd.s32 $0x4400, s10;
	s7 =	sadd.s32 $0x41A00, s7  }
0xd: {  	s8 =	smax.u32 s8, $0x1;
	s10 =	sshrl.u32 s11, $0x3;
	s11 =	simm.s32 $0x1  }
.LBB2_1:
0xe: {  	_ =	strace $0x8000004F  }
0xf: {  	[spmem:s10], [sflag:s9] =	dma.local [hbm:s5], $0x2780  }
0x10: {  	_ =	swait.ge [sflag:s11], $0x2780  }
0x11: {  	[sflag:s11] =	ssyncset.done $0x0  }
0x12: {  	[sflag:s11] =	ssyncadd.s32 $0xFFFFD880  }
0x13: {  	_ =	strace $0x9000004F  }
0x14: {  	_ =	strace $0x80000050  }
0x15: {  	[tilespmem:s4], [sflag:$0x1] =	stream.linear.gather [hbm4b:s6+s4], $0x4F00, $0x200038;
	[tilespmem:$0x1CB00] =	vst v63  }
0x16: {  	_ =	swait.ge [sflag:s11], $0x4F00  }
0x17: {  	[sflag:s11] =	ssyncset.done $0x0  }
0x18: {  	[sflag:s11] =	ssyncadd.s32 $0xFFFFB100  }
0x19: {  	_ =	strace $0x90000050  }
0x1a: {  	[bflag:$0x0] =	sbarrier.arrive $0xFFFF  }
0x1b: {  	s15 =	simm.s32 $0x0;
	_ =	strace $0x80000051  }
0x1c: {  	[tilespmem:s13], [sflag:$0x1] =	stream.indirect.gather [hbm4b:s1+s12], $0x80, s15, s12, $0x2000b8;
	[tilespmem:$0x1CB00] =	vst v63  }
0x1d: {  	_ =	swait.ge [sflag:s11], $0x4000  }
0x1e: {  	[sflag:s11] =	ssyncset.done $0x0  }
0x1f: {  	s31 =	simm.s32 $0x80;
	[sflag:s11] =	ssyncadd.s32 $0xFFFFC000  }
0x20: {  	[spmem:s3] =	stream.indirect.scatter.add.f32 [tilespmem:s13], [sflag:$0x1], $0x80, s31, s12, $0x2000b8;
	[tilespmem:$0x1CB00] =	vst v63  }
0x21: {  	_ =	swait.ge [sflag:s11], $0x4000  }
0x22: {  	s16 =	simm.s32 $0x800;
	s15 =	simm.s32 $0x400;
	[sflag:s11] =	ssyncset.done $0x0  }
.LBB2_2:
0x23: {  	s17 =	sshra.s32 s15, $0x2  }
0x24: {  	[sflag:s11] =	ssyncadd.s32 $0xFFFFC000;
	s15 =	smov.u32 s16;
	s18 =	sadd.s32 $0x400, s16  }
0x25: {  	[tilespmem:s13], [sflag:$0x1] =	stream.indirect.gather [hbm4b:s1+s12], $0x80, s17, s12, $0x2000b8;
	[tilespmem:$0x1CB00] =	vst v63  }
0x26: {  	p0 =	sne.s32 s16, $0x13800;
	_ =	swait.ge [sflag:s11], $0x4000  }
.Ltmp0:
0x27: {  	[sflag:s11] =	ssyncset.done $0x0;
	(pc) =	sbr.rel @p0 .LBB2_2-.Ltmp0, $4  }
0x28: {  	s16 =	sadd.s32 $0x80, s17;
	[sflag:s11] =	ssyncadd.s32 $0xFFFFC000  }
0x29: {  	[spmem:s3] =	stream.indirect.scatter.add.f32 [tilespmem:s13], [sflag:$0x1], $0x80, s16, s12, $0x2000b8;
	[tilespmem:$0x1CB00] =	vst v63  }
0x2a: {  	_ =	swait.ge [sflag:s11], $0x4000  }
0x2b: {  	s16 =	smov.u32 s18;
	[sflag:s11] =	ssyncset.done $0x0  }
0x2c: {  	s15 =	sshra.s32 s15, $0x2;
	[sflag:s11] =	ssyncadd.s32 $0xFFFFC000  }
0x2d: {  	[tilespmem:s13], [sflag:$0x1] =	stream.indirect.gather [hbm4b:s1+s12], $0x80, s15, s12, $0x2000b8;
	[tilespmem:$0x1CB00] =	vst v63  }
0x2e: {  	_ =	swait.ge [sflag:s11], $0x4000  }
0x2f: {  	[sflag:s11] =	ssyncset.done $0x0  }
0x30: {  	s15 =	sadd.s32 $0x80, s15;
	[sflag:s11] =	ssyncadd.s32 $0xFFFFC000  }
0x31: {  	[spmem:s3] =	stream.indirect.scatter.add.f32 [tilespmem:s13], [sflag:$0x1], $0x80, s15, s12, $0x2000b8;
	[tilespmem:$0x1CB00] =	vst v63  }
0x32: {  	_ =	swait.ge [sflag:s11], $0x4000  }
0x33: {  	[sflag:s11] =	ssyncset.done $0x0  }
0x34: {  	[sflag:s11] =	ssyncadd.s32 $0xFFFFC000  }
0x35: {  	_ =	strace $0x90000051  }
0x36: {  	s14 =	sadd.s32 $0x1, s14;
	[bflag:$0x0] =	sbarrier.arrive $0xFFFF  }
0x37: {  	p0 =	sne.s32 s14, s8;
	_ =	strace $0x80000052  }
0x38: {  	[hbm:s7], [sflag:s9] =	dma.local [spmem:s10], $0x2780  }
.Ltmp1:
0x39: {  	_ = 	snop;
	(pc) =	sbr.rel @p0 .LBB2_1-.Ltmp1, $4  }
0x3a: {  	_ =	swait.ge [sflag:s11], $0x2780  }
0x3b: {  	[sflag:s11] =	ssyncset.done $0x0  }
0x3c: {  	[sflag:s11] =	ssyncadd.s32 $0xFFFFD880  }
0x3d: {  	_ =	strace $0x90000052  }
0x3e: {  	_ =	sfence.sel $0x180000  }
0x3f: {  	[bflag:$0x0] =	sbarrier.arrive $0xFFFF  }
0x40: {  	p0 =	sne.s32 s0, $0x0;
	_ =	strace $0x9000004E  }
0x41: {  	s0 =	sadd.s32 @!p0 $0x100000, s2;
	[bflag:$0x2] =	sbarrier.arrive $0xFFFF  }
0x42: {  	[sflag:s0] =	ssyncadd.tile.s32 @!p0 $0x1;
	_ =	shalt  }
.Lfunc_end2:
_tile_overlayer_lowered:
.L_overlay_start_2:
0x43: {  	(tag) =	ssettag $0x2  }
0x44: {  	s0 =	rddreg [dreg:$0x0];
	s2 =	stileid.u32  }
0x45: {  	s1 =	rddreg [dreg:$0x1];
	p0 =	sne.s32 s2, $0x0  }
0x46: {  	s3 =	rddreg [dreg:$0x2];
	[bflag:$0x3] =	sbarrier.arrive $0xFFFF;
	s2 =	simm.s32 @!p0 $0x1C01  }
0x47: {  	[timem:s3], [sflag:s2] =	dma.local @!p0 [hbm:s0], s1  }
0x48: {  	s0 =	simm.s32 @!p0 $0x1  }
0x49: {  	_ =	swait.ge @!p0 [sflag:s0], s1  }
0x4a: {  	s1 =	ssub.s32 @!p0 $0x0, s1;
	[sflag:s0] =	ssyncset.done @!p0 $0x0  }
0x4b: {  	[sflag:s0] =	ssyncadd.s32 @!p0 s1  }
0x4c: {  	[bflag:$0x3] =	sbarrier.arrive $0xFFFF  }
0x4d: {  	_ =	shalt  }

// kernel: kernel.18.cloned.1.call-start
scs
__scs_entry_jumppad:
0x0: {  	(pc) =	sbr.rel $0x88, $3  }
0x1: {  	(tag) =	ssettag $0x0;
	lr =	simm.s32 $0x1  }
0x2: {  	[smem:$0x3F90] =	sst lr;
	_ =	strace $0xD0000000  }
0x3: {  	_ = 	snop  }
0x4: {  	_ = 	snop  }
0x5: {  	_ = 	snop  }
0x6: {  	_ = 	snop  }
0x7: {  	_ = 	snop  }
__scs_overlays_trampoline_lowered:
0x8: {  	[smem:$0x3F9F] =	sst s0  }
0x9: {  	[smem:$0x3FA0] =	sst s1  }
0xa: {  	[smem:$0x3FA1] =	sst s2  }
0xb: {  	[smem:$0x3FA2] =	sst s3  }
0xc: {  	[smem:$0x3FA3] =	sst s4  }
0xd: {  	[smem:$0x3FA4] =	sst s5  }
0xe: {  	[smem:$0x3FA5] =	sst s6  }
0xf: {  	[smem:$0x3FA6] =	sst s7  }
0x10: {  	[smem:$0x3FA7] =	sst s8  }
0x11: {  	[smem:$0x3FA8] =	sst s9;
	s0 =	simm.s32 @!p0 $0x0  }
0x12: {  	s1 =	sld [smem:$0x3F8E];
	s0 =	simm.s32 @p0 $0x1  }
0x13: {  	[smem:$0x3FA9] =	sst s0;
	s0 =	simm.s32 @!p1 $0x0  }
0x14: {  	s2 =	sld [smem:$0x3F8D];
	s0 =	simm.s32 @p1 $0x1  }
0x15: {  	[smem:$0x3FAA] =	sst s0;
	s0 =	simm.s32 @!p2 $0x0  }
0x16: {  	s3 =	sld [smem:$0x3FDB];
	s0 =	simm.s32 @p2 $0x1  }
0x17: {  	s4 =	simm.s32 $0x1BF5;
	[smem:$0x3FAC] =	sst s0  }
0x18: {  	s0 =	sld [smem:$0x3F8F];
	_ =	swait.ge [sflag:s4], $0x0  }
0x19: {  	s7 =	sld [smem:$0x3F90]  }
0x1a: {  	s8 =	sadd.s32 $0xFFFFE003, lr  }
0x1b: {  	s9 =	sadd.s32 $0xFFFFFEF7, lr;
	s5 =	simm.s32 $0xFFFFFFFF;
	p2 =	slt.u32 s8, $0xFFFFF086  }
0x1c: {  	p1 =	slt.u32 s9, $0xF7A;
	s5 =	simm.s32 @!p2 $0x0  }
0x1d: {  	s5 =	simm.s32 @p1 $0x1;
	p0 =	seq.s32 s7, s2  }
0x1e: {  	s7 =	smul.u32 @!p0 $0xF7A, s2;
	p2 =	seq.s32 @!p0 s5, $0x0  }
0x1f: {  	s9 =	smul.u32 $0xF7A, s1;
	s8 =	simm.s32 @!p0 $0x1BF5;
	p2 =	por !p2, p0  }
0x20: {  	[sflag:s8] =	ssyncset.s32 @!p0 $0xFFFFF086;
	s6 =	sadd.s32 @!p0 s3, s7;
	s7 =	simm.s32 @!p0 $0x108  }
0x21: {  	s3 =	sadd.s32 s3, s9;
	s6 =	sadd.s32 @!p0 $0x88, s6;
	s7 =	simm.s32 @p2 $0x1082  }
0x22: {  	[simem:s7], [sflag:s8] =	dma.local @!p0 [hbm:s6], $0xF7A  }
0x23: {  	s9 =	sor.u32 $0xD0000000, s2;
	s6 =	simm.s32 $0x108;
	_ =	swait.ge @!p0 [sflag:s8], $0x0  }
0x24: {  	s3 =	sadd.s32 $0x88, s3;
	s6 =	simm.s32 @!p1 $0x1082;
	[sflag:s4] =	ssyncset.s32 $0xFFFFF086  }
0x25: {  	[simem:s6], [sflag:s4] =	dma.local [hbm:s3], $0xF7A  }
0x26: {  	[smem:$0x3F90] =	sst s1;
	(tag) =	ssettag s2;
	_ =	strace s9  }
0x27: {  	s1 =	sld [smem:$0x3FA0]  }
0x28: {  	s2 =	sld [smem:$0x3FA1]  }
0x29: {  	s4 =	sld [smem:$0x3FA3]  }
0x2a: {  	p0 =	seq.s32 s5, $0x0;
	s5 =	sld [smem:$0x3FA4]  }
0x2b: {  	s6 =	sld [smem:$0x3FA5]  }
0x2c: {  	s7 =	sld [smem:$0x3FA6]  }
0x2d: {  	s3 =	simm.s32 $0x108;
	s8 =	sld [smem:$0x3FA7]  }
0x2e: {  	s3 =	simm.s32 @!p0 $0x1082;
	s9 =	sld [smem:$0x3FA8]  }
0x2f: {  	lr =	sadd.s32 s0, s3;
	s0 =	sld [smem:$0x3F9F]  }
0x30: {  	s3 =	sld [smem:$0x3FA2]  }
0x31: {  	[smem:$0x3FAB] =	sst s10  }
0x32: {  	s10 =	sld [smem:$0x3FA9];
	_ =	sdelay $0x3  }
0x33: {  	p0 =	seq.s32 s10, $0x1;
	s10 =	sld [smem:$0x3FAB];
	_ =	sdelay $0x3  }
0x34: {  	[smem:$0x3FAB] =	sst s10  }
0x35: {  	s10 =	sld [smem:$0x3FAA];
	_ =	sdelay $0x3  }
0x36: {  	p1 =	seq.s32 s10, $0x1;
	s10 =	sld [smem:$0x3FAB];
	_ =	sdelay $0x3  }
0x37: {  	[smem:$0x3FAB] =	sst s10  }
0x38: {  	s10 =	sld [smem:$0x3FAC]  }
0x39: {  	_ = 	snop;
	(pc) =	sbr.ind lr, $3  }
0x3a: {  	_ = 	snop  }
0x3b: {  	_ = 	snop  }
0x3c: {  	p2 =	seq.s32 s10, $0x1;
	s10 =	sld [smem:$0x3FAB]  }
0x3d: {  	_ =	shalt  }
0x3e: {  	_ =	shalt  }
0x3f: {  	_ =	shalt  }
0x40: {  	_ =	shalt  }
0x41: {  	_ =	shalt  }
0x42: {  	_ =	shalt  }
0x43: {  	_ =	shalt  }
0x44: {  	_ =	shalt  }
0x45: {  	_ =	shalt  }
0x46: {  	_ =	shalt  }
0x47: {  	_ =	shalt  }
0x48: {  	_ =	shalt  }
0x49: {  	_ =	shalt  }
0x4a: {  	_ =	shalt  }
0x4b: {  	_ =	shalt  }
0x4c: {  	_ =	shalt  }
0x4d: {  	_ =	shalt  }
0x4e: {  	_ =	shalt  }
0x4f: {  	_ =	shalt  }
0x50: {  	_ =	shalt  }
0x51: {  	_ =	shalt  }
0x52: {  	_ =	shalt  }
0x53: {  	_ =	shalt  }
0x54: {  	_ =	shalt  }
0x55: {  	_ =	shalt  }
0x56: {  	_ =	shalt  }
0x57: {  	_ =	shalt  }
0x58: {  	_ =	shalt  }
0x59: {  	_ =	shalt  }
0x5a: {  	_ =	shalt  }
0x5b: {  	_ =	shalt  }
0x5c: {  	_ =	shalt  }
0x5d: {  	_ =	shalt  }
0x5e: {  	_ =	shalt  }
0x5f: {  	_ =	shalt  }
0x60: {  	_ =	shalt  }
0x61: {  	_ =	shalt  }
0x62: {  	_ =	shalt  }
0x63: {  	_ =	shalt  }
0x64: {  	_ =	shalt  }
0x65: {  	_ =	shalt  }
0x66: {  	_ =	shalt  }
0x67: {  	_ =	shalt  }
0x68: {  	_ =	shalt  }
0x69: {  	_ =	shalt  }
0x6a: {  	_ =	shalt  }
0x6b: {  	_ =	shalt  }
0x6c: {  	_ =	shalt  }
0x6d: {  	_ =	shalt  }
0x6e: {  	_ =	shalt  }
0x6f: {  	_ =	shalt  }
0x70: {  	_ =	shalt  }
0x71: {  	_ =	shalt  }
0x72: {  	_ =	shalt  }
0x73: {  	_ =	shalt  }
0x74: {  	_ =	shalt  }
0x75: {  	_ =	shalt  }
0x76: {  	_ =	shalt  }
0x77: {  	_ =	shalt  }
0x78: {  	_ =	shalt  }
0x79: {  	_ =	shalt  }
0x7a: {  	_ =	shalt  }
0x7b: {  	_ =	shalt  }
0x7c: {  	_ =	shalt  }
0x7d: {  	_ =	shalt  }
0x7e: {  	_ =	shalt  }
0x7f: {  	_ =	shalt  }
0x80: {  	_ =	shalt  }
0x81: {  	_ =	shalt  }
0x82: {  	_ =	shalt  }
0x83: {  	_ =	shalt  }
0x84: {  	_ =	shalt  }
0x85: {  	_ =	shalt  }
0x86: {  	_ =	shalt  }
0x87: {  	_ =	shalt  }
.Lfunc_end0:
.L_simem_size_0:
called_computation.2_lowered:
.L_overlay_start_0:
0x88: {  	s2 =	sld [smem:$0x3FD9]  }
0x89: {  	s3 =	sld [smem:$0x3FFE];
	_ =	sdelay $0x1  }
0x8a: {  	s1 =	srdreg.scid  }
0x8b: {  	s0 =	sand.u32 $0x1, s1  }
0x8c: {  	s17 =	sshll.u32 s0, $0xA;
	s2 =	sadd.s32 s3, s2  }
0x8d: {  	s2 =	sadd.s32 s2, s17  }
0x8e: {  	[smem:$0x3FB7] =	sst s2  }
0x8f: {  	_ = 	snop  }
0x90: {  	s2 =	sld [smem:$0x3FD0];
	(tm) =	ssettm $0x1  }
0x91: {  	s18 =	sld [smem:$0x3FFB];
	_ =	sdelay $0x3  }
0x92: {  	_ =	strace s18  }
0x93: {  	s3 =	sld [smem:$0x3FFC];
	_ =	sdelay $0x3  }
0x94: {  	_ =	strace s3  }
0x95: {  	s3 =	sld [smem:$0x3FFD];
	_ =	sdelay $0x3  }
0x96: {  	_ =	strace s3  }
0x97: {  	_ =	strace $0x8FFFFFFF  }
0x98: {  	s19 =	sld [smem:$0x3FDB];
	_ =	sdelay $0x1  }
0x99: {  	s4 =	simm.s32 $_scs_section_size  }
0x9a: {  	s5 =	simm.s32 $_size__tile_overlayer_lowered;
	s6 =	simm.s32 $_tile_overlayer_lowered  }
0x9b: {  	s22 =	simm.s32 $0x1BFF;
	s21 =	sshll.u32 s6, $0x1;
	s3 =	sadd.s32 s4, s19  }
0x9c: {  	s7 =	simm.s32 $0x0;
	s20 =	sshll.u32 s5, $0x1;
	s5 =	sadd.s32 s21, s3  }
0x9d: {  	[timem:s7], [sflag:s22] =	dma.local [hbm:s5], s20  }
0x9e: {  	_ =	swait.ge [sflag:s22], s20  }
0x9f: {  	s4 =	ssub.s32 $0x0, s20;
	[sflag:s22] =	ssyncset.done $0x0  }
0xa0: {  	[sflag:s22] =	ssyncadd.s32 s4;
	_ =	sdelay $0x1  }
0xa1: {  	s23 =	simm.s32 $0x1B8B  }
0xa2: {  	_ =	swait.ge [sflag:s23], $0x1  }
0xa3: {  	[sflag:s23] =	ssyncset.done $0x0  }
0xa4: {  	s25 =	simm.s32 $0x1B8E;
	s24 =	sld [smem:$0x3FFE];
	[sflag:s23] =	ssyncadd.s32 $0xFFFFFFFF  }
0xa5: {  	s26 =	simm.s32 $execute0_lowered;
	[smem:$0x3FD2] =	sst s25  }
0xa6: {  	s5 =	sshll.u32 s26, $0x1;
	_ =	strace $0x80000054;
	[dreg:$0x1] =	wrdreg $0xFFFFFFFF  }
0xa7: {  	s28 =	simm.s32 $_size_execute0_lowered;
	s3 =	sadd.s32 s3, s5;
	[dreg:$0x0] =	wrdreg $0x0  }
0xa8: {  	s5 =	sshll.u32 s28, $0x1;
	[dreg:$0x2] =	wrdreg s3  }
0xa9: {  	[dreg:$0x3] =	wrdreg s5  }
0xaa: {  	[dreg:$0x4] =	wrdreg $0xC0  }
0xab: {  	_ =	task [dreg:s7], $0x5FFFF  }
0xac: {  	[dreg:$0x1] =	wrdreg $0xFFFFFFFF  }
0xad: {  	[dreg:$0x0] =	wrdreg $0x60  }
0xae: {  	[dreg:$0x2] =	wrdreg s2  }
0xaf: {  	[dreg:$0x3] =	wrdreg s24  }
0xb0: {  	[dreg:$0x4] =	wrdreg $0x8F000  }
0xb1: {  	[dreg:$0x5] =	wrdreg $0x9  }
0xb2: {  	_ =	task.clear_ibuf [dreg:s7], $0x6FFFF;
	_ =	strace $0x90000054  }
0xb3: {  	s29 =	simm.s32 $0x9;
	_ =	strace $0x8000005A  }
0xb4: {  	_ =	swait.ge [sflag:s29], $0x1  }
0xb5: {  	[sflag:s29] =	ssyncadd.s32 $0xFFFFFFFF  }
0xb6: {  	_ =	strace $0x9000005A  }
0xb7: {  	_ =	sfence  }
0xb8: {  	s30 =	sld [smem:$0x0];
	_ =	sdelay $0x2  }
0xb9: {  	s31 =	sshll.u32 s1, $0xD;
	s1 =	sshrl.u32 s1, $0x2  }
0xba: {  	s3 =	sand.u32 $0x4000, s31;
	s1 =	sadd.s32 s1, s30  }
0xbb: {  	s0 =	sor.u32 s3, s0;
	s1 =	sshll.u32 s1, $0x11  }
0xbc: {  	s0 =	sor.u32 s1, s0  }
0xbd: {  	s0 =	sadd.s32 $0x8F2B, s0  }
0xbe: {  	[sflag:s0] =	ssyncadd.remote.s32 $0x1  }
0xbf: {  	_ =	sfence.sel $0xFFFF  }
0xc0: {  	[dreg:$0x0] =	wrdreg $0xFFFFFFFF;
	(pc) =	sbr.abs _section_cstart, $3  }
0xc1: {  	[dreg:$0x1] =	wrdreg $0xFFFFFFFF  }
0xc2: {  	_ =	task.clear_ibuf [dreg:s7], $0x2FFFF;
	_ =	strace $0x9FFFFFFF  }
0xc3: {  	(tm) =	ssettm $0x7FFFFFFF  }
tec
execute0_lowered:
.L_overlay_start_1:
0x0: {  	(tag) =	ssettag $0x1  }
0x1: {  	s1 =	rddreg [dreg:$0x0]  }
0x2: {  	s0 =	srdreg.scid;
	s7 =	rddreg [dreg:$0x1]  }
0x3: {  	s3 =	rddreg [dreg:$0x2];
	s4 =	simm.s32 $0x0;
	s6 =	sand.u32 $0x1, s0  }
0x4: {  	s12 =	simm.s32 $0x80;
	s0 =	stileid.u32;
	s8 =	smul.u32 $0x13C000, s6  }
0x5: {  	s13 =	simm.s32 $0x4F00;
	s14 =	simm.s32 $0x0;
	s9 =	smul.u32 $0x13C00, s0  }
0x6: {  	[smem:$0x7FF] =	sst s4;
	s2 =	sshll.u32 s6, $0x4;
	s29 =	smul.u32 $0x4F000, s0  }
0x7: {  	s6 =	ssub.s32 $0x2, s6;
	s31 =	sshll.u32 s0, $0x6;
	s2 =	sor.u32 s0, s2  }
0x8: {  	s30 =	sshrl.u32 s6, $0x1;
	s5 =	smul.u32 $0x9E0, s2;
	s2 =	rddreg [dreg:$0x3]  }
0x9: {  	_ =	strace $0x80000055;
	s8 =	sadd.s32 s9, s8;
	s9 =	sshrl.u32 s29, $0x2  }
0xa: {  	s8 =	sshrl.u32 s8, $0x3;
	s11 =	sadd.s32 s9, s3;
	s9 =	sor.u32 $0x1C01, s31  }
0xb: {  	s10 =	sadd.s32 s5, s7;
	s5 =	sadd.s32 $0x18000, s7;
	s7 =	sadd.s32 s8, s7  }
0xc: {  	s8 =	ssub.s32 s6, s30;
	s6 =	sadd.s32 $0x4400, s10;
	s7 =	sadd.s32 $0x1A800, s7  }
0xd: {  	s8 =	smax.u32 s8, $0x1;
	s10 =	sshrl.u32 s11, $0x3;
	s11 =	simm.s32 $0x1  }
.LBB2_1:
0xe: {  	_ =	strace $0x80000056  }
0xf: {  	[spmem:s10], [sflag:s9] =	dma.local [hbm:s5], $0x2780  }
0x10: {  	_ =	swait.ge [sflag:s11], $0x2780  }
0x11: {  	[sflag:s11] =	ssyncset.done $0x0  }
0x12: {  	[sflag:s11] =	ssyncadd.s32 $0xFFFFD880  }
0x13: {  	_ =	strace $0x90000056  }
0x14: {  	_ =	strace $0x80000057  }
0x15: {  	[tilespmem:s4], [sflag:$0x1] =	stream.linear.gather [hbm4b:s6+s4], $0x4F00, $0x200038;
	[tilespmem:$0x1CB00] =	vst v63  }
0x16: {  	_ =	swait.ge [sflag:s11], $0x4F00  }
0x17: {  	[sflag:s11] =	ssyncset.done $0x0  }
0x18: {  	[sflag:s11] =	ssyncadd.s32 $0xFFFFB100  }
0x19: {  	_ =	strace $0x90000057  }
0x1a: {  	[bflag:$0x0] =	sbarrier.arrive $0xFFFF  }
0x1b: {  	s15 =	simm.s32 $0x0;
	_ =	strace $0x80000058  }
0x1c: {  	[tilespmem:s13], [sflag:$0x1] =	stream.indirect.gather [hbm4b:s1+s12], $0x80, s15, s12, $0x2000b8;
	[tilespmem:$0x1CB00] =	vst v63  }
0x1d: {  	_ =	swait.ge [sflag:s11], $0x4000  }
0x1e: {  	[sflag:s11] =	ssyncset.done $0x0  }
0x1f: {  	s31 =	simm.s32 $0x80;
	[sflag:s11] =	ssyncadd.s32 $0xFFFFC000  }
0x20: {  	[spmem:s3] =	stream.indirect.scatter.add.f32 [tilespmem:s13], [sflag:$0x1], $0x80, s31, s12, $0x2000b8;
	[tilespmem:$0x1CB00] =	vst v63  }
0x21: {  	_ =	swait.ge [sflag:s11], $0x4000  }
0x22: {  	s16 =	simm.s32 $0x800;
	s15 =	simm.s32 $0x400;
	[sflag:s11] =	ssyncset.done $0x0  }
.LBB2_2:
0x23: {  	s17 =	sshra.s32 s15, $0x2  }
0x24: {  	[sflag:s11] =	ssyncadd.s32 $0xFFFFC000;
	s15 =	smov.u32 s16;
	s18 =	sadd.s32 $0x400, s16  }
0x25: {  	[tilespmem:s13], [sflag:$0x1] =	stream.indirect.gather [hbm4b:s1+s12], $0x80, s17, s12, $0x2000b8;
	[tilespmem:$0x1CB00] =	vst v63  }
0x26: {  	p0 =	sne.s32 s16, $0x13800;
	_ =	swait.ge [sflag:s11], $0x4000  }
.Ltmp0:
0x27: {  	[sflag:s11] =	ssyncset.done $0x0;
	(pc) =	sbr.rel @p0 .LBB2_2-.Ltmp0, $4  }
0x28: {  	s16 =	sadd.s32 $0x80, s17;
	[sflag:s11] =	ssyncadd.s32 $0xFFFFC000  }
0x29: {  	[spmem:s3] =	stream.indirect.scatter.add.f32 [tilespmem:s13], [sflag:$0x1], $0x80, s16, s12, $0x2000b8;
	[tilespmem:$0x1CB00] =	vst v63  }
0x2a: {  	_ =	swait.ge [sflag:s11], $0x4000  }
0x2b: {  	s16 =	smov.u32 s18;
	[sflag:s11] =	ssyncset.done $0x0  }
0x2c: {  	s15 =	sshra.s32 s15, $0x2;
	[sflag:s11] =	ssyncadd.s32 $0xFFFFC000  }
0x2d: {  	[tilespmem:s13], [sflag:$0x1] =	stream.indirect.gather [hbm4b:s1+s12], $0x80, s15, s12, $0x2000b8;
	[tilespmem:$0x1CB00] =	vst v63  }
0x2e: {  	_ =	swait.ge [sflag:s11], $0x4000  }
0x2f: {  	[sflag:s11] =	ssyncset.done $0x0  }
0x30: {  	s15 =	sadd.s32 $0x80, s15;
	[sflag:s11] =	ssyncadd.s32 $0xFFFFC000  }
0x31: {  	[spmem:s3] =	stream.indirect.scatter.add.f32 [tilespmem:s13], [sflag:$0x1], $0x80, s15, s12, $0x2000b8;
	[tilespmem:$0x1CB00] =	vst v63  }
0x32: {  	_ =	swait.ge [sflag:s11], $0x4000  }
0x33: {  	[sflag:s11] =	ssyncset.done $0x0  }
0x34: {  	[sflag:s11] =	ssyncadd.s32 $0xFFFFC000  }
0x35: {  	_ =	strace $0x90000058  }
0x36: {  	s14 =	sadd.s32 $0x1, s14;
	[bflag:$0x0] =	sbarrier.arrive $0xFFFF  }
0x37: {  	p0 =	sne.s32 s14, s8;
	_ =	strace $0x80000059  }
0x38: {  	[hbm:s7], [sflag:s9] =	dma.local [spmem:s10], $0x2780  }
.Ltmp1:
0x39: {  	_ = 	snop;
	(pc) =	sbr.rel @p0 .LBB2_1-.Ltmp1, $4  }
0x3a: {  	_ =	swait.ge [sflag:s11], $0x2780  }
0x3b: {  	[sflag:s11] =	ssyncset.done $0x0  }
0x3c: {  	[sflag:s11] =	ssyncadd.s32 $0xFFFFD880  }
0x3d: {  	_ =	strace $0x90000059  }
0x3e: {  	_ =	sfence.sel $0x180000  }
0x3f: {  	[bflag:$0x0] =	sbarrier.arrive $0xFFFF  }
0x40: {  	p0 =	sne.s32 s0, $0x0;
	_ =	strace $0x90000055  }
0x41: {  	s0 =	sadd.s32 @!p0 $0x100000, s2;
	[bflag:$0x2] =	sbarrier.arrive $0xFFFF  }
0x42: {  	[sflag:s0] =	ssyncadd.tile.s32 @!p0 $0x1;
	_ =	shalt  }
.Lfunc_end2:
_tile_overlayer_lowered:
.L_overlay_start_2:
0x43: {  	(tag) =	ssettag $0x2  }
0x44: {  	s0 =	rddreg [dreg:$0x0];
	s2 =	stileid.u32  }
0x45: {  	s1 =	rddreg [dreg:$0x1];
	p0 =	sne.s32 s2, $0x0  }
0x46: {  	s3 =	rddreg [dreg:$0x2];
	[bflag:$0x3] =	sbarrier.arrive $0xFFFF;
	s2 =	simm.s32 @!p0 $0x1C01  }
0x47: {  	[timem:s3], [sflag:s2] =	dma.local @!p0 [hbm:s0], s1  }
0x48: {  	s0 =	simm.s32 @!p0 $0x1  }
0x49: {  	_ =	swait.ge @!p0 [sflag:s0], s1  }
0x4a: {  	s1 =	ssub.s32 @!p0 $0x0, s1;
	[sflag:s0] =	ssyncset.done @!p0 $0x0  }
0x4b: {  	[sflag:s0] =	ssyncadd.s32 @!p0 s1  }
0x4c: {  	[bflag:$0x3] =	sbarrier.arrive $0xFFFF  }
0x4d: {  	_ =	shalt  }

</sc_bundles>
